<compile_context>
chip_gen: v7x
topology: tpu7x:2x2x1
jax: 0.10.2.dev20260603
libtpu: 0.0.44.dev20260713+nightly
codegen_flags: <defaults>
</compile_context>

<pallas_src>
import functools

import jax
import jax.numpy as jnp
from jax import lax
from jax.experimental import pallas as pl
from jax.experimental.pallas import tpu as pltpu
from jax.experimental.pallas import tpu_sc as plsc

EMB = 64
C0, C1, C2 = 20000, 200000, 1000000
T0ROWS = C1 - C0
T1ROWS = C2 - C1
TROWS = T0ROWS + T1ROWS
N = 4096 * 200

NC, NS = 2, 16
NW = NC * NS
TOK_W = N // NW
CH = 512
NCH = TOK_W // CH
HB = 128

_mesh = plsc.VectorSubcoreMesh(
    core_axis_name="c", subcore_axis_name="s", num_cores=NC, num_subcores=NS
)
_sc_params = pltpu.CompilerParams(use_tc_tiling_on_sc=False, needs_layout_passes=False)


@functools.partial(
    pl.kernel,
    mesh=_mesh,
    compiler_params=_sc_params,
    out_type=jax.ShapeDtypeStruct((N, 16), jnp.float32),
    scratch_types=[
        pltpu.VMEM((CH,), jnp.int32),
        pltpu.VMEM((CH,), jnp.int32),
        pltpu.VMEM((CH, 16), jnp.float32),
        pltpu.SemaphoreType.DMA,
    ],
)
def _sc_gather(flat_hbm, comb_hbm, r12_hbm, idx_v, lidx_v, rows_v, sem):
    wid = lax.axis_index("s") * NC + lax.axis_index("c")
    base_w = wid * TOK_W

    def chunk_body(g, carry):
        base = base_w + g * CH
        pltpu.sync_copy(flat_hbm.at[pl.ds(base, CH)], idx_v)

        def vec_body(j, c):
            v = idx_v[pl.ds(j * 16, 16)]
            lidx = jnp.where(v < C0, 0,
                             jnp.where(v < C1, v - C0, T0ROWS + (v - C1)))
            lidx_v[pl.ds(j * 16, 16)] = lidx
            return c

        lax.fori_loop(0, CH // 16, vec_body, 0)
        pltpu.async_copy(comb_hbm.at[lidx_v], rows_v, sem).wait()
        pltpu.sync_copy(rows_v, r12_hbm.at[pl.ds(base, CH)])
        return carry

    lax.fori_loop(0, NCH, chunk_body, 0)


LCAP = TOK_W + HB + 16
DUMP = LCAP - 1


@functools.partial(
    pl.kernel,
    mesh=_mesh,
    compiler_params=_sc_params,
    out_type=(),
    scratch_types=[
        pltpu.VMEM((CH,), jnp.int32),
        pltpu.VMEM((LCAP,), jnp.int32),
        pltpu.VMEM((LCAP,), jnp.int32),
        pltpu.VMEM((HB, EMB), jnp.float32),
        pltpu.SemaphoreType.DMA,
    ],
)
def _sc_head_scatter(flat_hbm, p0_hbm, out_ref, idx_v, pos_v, hidx_v, rows_v, sem):
    wid = lax.axis_index("s") * NC + lax.axis_index("c")
    base_w = wid * TOK_W

    def chunk_body(g, off):
        base = base_w + g * CH
        pltpu.sync_copy(flat_hbm.at[pl.ds(base, CH)], idx_v)

        def vec_body(j, off):
            v = idx_v[pl.ds(j * 16, 16)]
            m0 = v < C0
            c = jnp.where(m0, 1, 0)
            rank = plsc.cumsum(c) - c
            dst = jnp.where(m0, off + rank, DUMP)
            plsc.store_scatter(pos_v, [dst], base + j * 16 + lax.iota(jnp.int32, 16))
            plsc.store_scatter(hidx_v, [dst], v)
            return off + jnp.sum(c)

        return lax.fori_loop(0, CH // 16, vec_body, off)

    off = lax.fori_loop(0, NCH, chunk_body, 0)

    nb = (off + HB - 1) // HB
    offp = nb * HB

    @pl.when(off > 0)
    def _pad():
        lane0 = lax.iota(jnp.int32, 16) == 0
        pos0 = jnp.sum(jnp.where(lane0, pos_v[pl.ds(0, 16)], 0))
        hid0 = jnp.sum(jnp.where(lane0, hidx_v[pl.ds(0, 16)], 0))

        def pad_body(k, c):
            lanes = k * 16 + lax.iota(jnp.int32, 16)
            m = lanes >= off
            cur_p = pos_v[pl.ds(k * 16, 16)]
            cur_h = hidx_v[pl.ds(k * 16, 16)]
            pos_v[pl.ds(k * 16, 16)] = jnp.where(m, pos0, cur_p)
            hidx_v[pl.ds(k * 16, 16)] = jnp.where(m, hid0, cur_h)
            return c

        lax.fori_loop(off // 16, (offp + 15) // 16, pad_body, 0)

    def batch_body(b, c):
        s = pl.ds(b * HB, HB)
        pltpu.async_copy(p0_hbm.at[hidx_v.at[s]], rows_v, sem).wait()
        pltpu.async_copy(rows_v, out_ref.at[pos_v.at[s]], sem).wait()
        return c

    lax.fori_loop(0, nb, batch_body, 0)


def _tc_p0_body(emb_ref, w_ref, out_ref):
    out_ref[...] = jnp.dot(emb_ref[...], w_ref[...],
                           preferred_element_type=jnp.float32)


TB = 8192
TBP = TB // 8


def _tc_body(r12_ref, m1_ref, w1blk_ref, dblk_ref, out_ref):
    r = r12_ref[...]
    res = (
        jnp.dot(r, w1blk_ref[...], preferred_element_type=jnp.float32)
        + jnp.dot(r * m1_ref[...], dblk_ref[...],
                  preferred_element_type=jnp.float32)
    )
    out_ref[...] = res.reshape(TB // 2, 128)


def kernel(input, head_emb, head_W, tail_emb0, tail_W0, tail_emb1, tail_W1):
    flat = input.T.reshape(-1).astype(jnp.int32)
    t0part = jnp.transpose(
        tail_emb0.T.reshape(16, T0ROWS // 8, 8), (1, 2, 0)).reshape(T0ROWS // 8, 128)
    t1part = jnp.pad(
        jnp.transpose(tail_emb1.T.reshape(4, T1ROWS // 8, 8), (1, 2, 0)),
        ((0, 0), (0, 0), (0, 12))).reshape(T1ROWS // 8, 128)
    comb128 = jnp.concatenate([t0part, t1part], axis=0)

    m1f = ((flat >= C0) & (flat < C1)).astype(jnp.float32)
    m1p = jnp.repeat(m1f, 16).reshape(N // 8, 128)
    w1pad = jnp.pad(tail_W1, ((0, 12), (0, 0)))
    eye8 = jnp.eye(8, dtype=jnp.float32)
    w1blk = jnp.kron(eye8, w1pad)
    dblk = jnp.kron(eye8, tail_W0 - w1pad)

    p0 = pl.pallas_call(
        _tc_p0_body,
        grid=(10,),
        in_specs=[
            pl.BlockSpec((C0 // 10, EMB), lambda i: (i, 0)),
            pl.BlockSpec((EMB, EMB), lambda i: (0, 0)),
        ],
        out_specs=pl.BlockSpec((C0 // 10, EMB), lambda i: (i, 0)),
        out_shape=jax.ShapeDtypeStruct((C0, EMB), jnp.float32),
    )(head_emb, head_W)

    r12 = _sc_gather(flat, comb128.reshape(TROWS, 16))

    out2 = pl.pallas_call(
        _tc_body,
        grid=(N // TB,),
        in_specs=[
            pl.BlockSpec((TBP, 128), lambda i: (i, 0)),
            pl.BlockSpec((TBP, 128), lambda i: (i, 0)),
            pl.BlockSpec((128, 512), lambda i: (0, 0)),
            pl.BlockSpec((128, 512), lambda i: (0, 0)),
        ],
        out_specs=pl.BlockSpec((TB // 2, 128), lambda i: (i, 0)),
        out_shape=jax.ShapeDtypeStruct((N // 2, 128), jnp.float32),
    )(r12.reshape(N // 8, 128), m1p, w1blk, dblk)
    out = out2.reshape(N, EMB)

    ref = jax.new_ref(out)
    _sc_head_scatter(flat, p0, ref)
    return ref[...].reshape(input.shape[1], input.shape[0], EMB).swapaxes(0, 1)

# --- scband reference (transcript-rebuilt; emitter-appended) ---
"""Pipeline reference for scband-adaptive-input-24180665876694 (READ-ONLY COPY).

The authoritative reference and input builder live on the scoring server;
editing this copy changes nothing except your own understanding.
"""

import jax, jax.numpy as jnp
import numpy as np

EMB = 64
C0, C1, C2 = 20000, 200000, 1000000

def setup_inputs(seed: int = 0) -> dict:
    key = jax.random.key(seed)
    ks = jax.random.split(key, 7)
    inp = jax.random.randint(ks[0], (4096, 200), 0, C2)
    head_emb = jax.random.normal(ks[1], (C0, EMB), dtype=jnp.float32) * 0.02
    head_W = jax.random.normal(ks[2], (EMB, EMB), dtype=jnp.float32) * 0.02
    tail_emb0 = jax.random.normal(ks[3], (C1 - C0, 16), dtype=jnp.float32) * 0.02
    tail_W0 = jax.random.normal(ks[4], (16, EMB), dtype=jnp.float32) * 0.02
    tail_emb1 = jax.random.normal(ks[5], (C2 - C1, 4), dtype=jnp.float32) * 0.02
    tail_W1 = jax.random.normal(ks[6], (4, EMB), dtype=jnp.float32) * 0.02
    return {"input": inp, "head_emb": head_emb, "head_W": head_W,
            "tail_emb0": tail_emb0, "tail_W0": tail_W0,
            "tail_emb1": tail_emb1, "tail_W1": tail_W1}

def reference(input, head_emb, head_W, tail_emb0, tail_W0, tail_emb1, tail_W1):
    orig_shape = input.shape
    flat = input.reshape(-1)
    n = flat.shape[0]
    out = jnp.zeros((n, EMB), dtype=jnp.float32)
    # cluster 0: head embedding -> linear (no bias)
    m0 = (flat >= 0) & (flat < C0)
    i0 = jnp.where(m0, flat, 0)
    e0 = jnp.take(head_emb, i0, axis=0) @ head_W
    out = jnp.where(m0[:, None], e0, out)
    # cluster 1: tail[0] embedding (dim 16) -> projection to EMB
    m1 = (flat >= C0) & (flat < C1)
    i1 = jnp.where(m1, flat - C0, 0)
    e1 = jnp.take(tail_emb0, i1, axis=0) @ tail_W0
    out = jnp.where(m1[:, None], e1, out)
    # cluster 2: tail[1] embedding (dim 4) -> projection to EMB
    m2 = (flat >= C1) & (flat < C2)
    i2 = jnp.where(m2, flat - C1, 0)
    e2 = jnp.take(tail_emb1, i2, axis=0) @ tail_W1
    out = jnp.where(m2[:, None], e2, out)
    return out.reshape(orig_shape[0], orig_shape[1], EMB)

if __name__ == "__main__":
    import jax
    _d = setup_inputs()
    print(jax.jit(kernel)(*tuple(_d.values())))

</pallas_src>

<mosaic_0001>
#map = affine_map<(d0, d1) -> (0)>
#map1 = affine_map<(d0, d1) -> (0, 0)>
module attributes {stable_mosaic.version = 14 : i64} {
  func.func @_sc_gather(%arg0: i32, %arg1: i32, %arg2: memref<819200xi32, #tpu.memory_space<hbm>>, %arg3: memref<980000x16xf32, #tpu.memory_space<hbm>>, %arg4: memref<819200x16xf32, #tpu.memory_space<hbm>>, %arg5: memref<512xi32, #tpu.memory_space<vmem>>, %arg6: memref<512xi32, #tpu.memory_space<vmem>>, %arg7: memref<512x16xf32, #tpu.memory_space<vmem>>, %arg8: memref<!tpu.dma_semaphore, #tpu.memory_space<semaphore_mem>>) attributes {dimension_semantics = [#tpu.dimension_semantics<core_parallel>, #tpu.dimension_semantics<subcore_parallel>], iteration_bounds = array<i64: 2, 16>, scalar_prefetch = 0 : i64, scratch_operands = 4 : i64, tpu.core_type = #tpu.core_type<sc_vector_subcore>, window_params = [{transform_indices = #map}, {transform_indices = #map1}, {transform_indices = #map1}]} {
    %mul3A = arith.constant 2 : i32
    %mul3A_0 = arith.muli %arg1, %mul3A : i32
    %add3A = arith.addi %mul3A_0, %arg0 : i32
    %mul3A_1 = arith.constant 25600 : i32
    %mul3A_2 = arith.muli %add3A, %mul3A_1 : i32
    %scan3A = arith.constant 0 : i32
    %scan3A_3 = arith.constant 0 : i32
    %scan3A_4 = arith.constant 50 : i32
    %scan3A_5 = arith.addi %scan3A_3, %scan3A_4 : i32
    %scan3A_6 = arith.constant 1 : i32
    scf.for %scan3A_8 = %scan3A_3 to %scan3A_5 step %scan3A_6  : i32 {
      %mul3A_9 = arith.constant 512 : i32
      %mul3A_10 = arith.muli %scan3A_8, %mul3A_9 : i32
      %add3A_11 = arith.addi %mul3A_2, %mul3A_10 : i32
      "tpu.region"() ({
        %run_scoped3A = tpu.sem_alloc : memref<!tpu.dma_semaphore, #tpu.memory_space<semaphore_mem>>
        %dma_start3A_22 = tpu.memref_slice %arg2[%add3A_11] : memref<819200xi32, #tpu.memory_space<hbm>> -> memref<512xi32, #tpu.memory_space<hbm>>
        %dma_start3A_23 = tpu.memref_slice %arg2[%add3A_11] : memref<819200xi32, #tpu.memory_space<hbm>> -> memref<512xi32, #tpu.memory_space<hbm>>
        tpu.enqueue_dma source(%dma_start3A_23 : memref<512xi32, #tpu.memory_space<hbm>>) target(%arg5 : memref<512xi32, #tpu.memory_space<vmem>>) target_semaphore(%run_scoped3A : memref<!tpu.dma_semaphore, #tpu.memory_space<semaphore_mem>>)
        %dma_wait3A_24 = tpu.memref_slice %arg2[%add3A_11] : memref<819200xi32, #tpu.memory_space<hbm>> -> memref<512xi32, #tpu.memory_space<hbm>>
        %dma_wait3A_25 = tpu.memref_slice %arg2[%add3A_11] : memref<819200xi32, #tpu.memory_space<hbm>> -> memref<512xi32, #tpu.memory_space<hbm>>
        tpu.wait_dma2 semaphore(%run_scoped3A : memref<!tpu.dma_semaphore, #tpu.memory_space<semaphore_mem>>) src(%dma_wait3A_25 : memref<512xi32, #tpu.memory_space<hbm>>) dst(%arg5 : memref<512xi32, #tpu.memory_space<vmem>>)
        tpu.yield
      }) : () -> ()
      %scan3A_12 = arith.constant 0 : i32
      %scan3A_13 = arith.constant 0 : i32
      %scan3A_14 = arith.constant 32 : i32
      %scan3A_15 = arith.addi %scan3A_13, %scan3A_14 : i32
      %scan3A_16 = arith.constant 1 : i32
      scf.for %scan3A_22 = %scan3A_13 to %scan3A_15 step %scan3A_16  : i32 {
        %mul3A_23 = arith.constant 16 : i32
        %mul3A_24 = arith.muli %scan3A_22, %mul3A_23 : i32
        %get3A = arith.index_cast %mul3A_24 : i32 to index
        %get3A_25 = tpu.vector_load %arg5[%get3A] {strides = array<i32>} : memref<512xi32, #tpu.memory_space<vmem>>, vector<16xi32>,
        %lt3A = arith.constant 20000 : i32
        %lt3A_26 = vector.broadcast %lt3A : i32 to vector<16xi32>
        %lt3A_27 = arith.cmpi slt, %get3A_25, %lt3A_26 : vector<16xi32>
        %lt3A_28 = arith.constant 200000 : i32
        %lt3A_29 = vector.broadcast %lt3A_28 : i32 to vector<16xi32>
        %lt3A_30 = arith.cmpi slt, %get3A_25, %lt3A_29 : vector<16xi32>
        %sub3A = arith.constant 20000 : i32
        %sub3A_31 = vector.broadcast %sub3A : i32 to vector<16xi32>
        %sub3A_32 = arith.subi %get3A_25, %sub3A_31 : vector<16xi32>
        %sub3A_33 = arith.constant 200000 : i32
        %sub3A_34 = vector.broadcast %sub3A_33 : i32 to vector<16xi32>
        %sub3A_35 = arith.subi %get3A_25, %sub3A_34 : vector<16xi32>
        %add3A_36 = arith.constant 180000 : i32
        %add3A_37 = vector.broadcast %add3A_36 : i32 to vector<16xi32>
        %add3A_38 = arith.addi %add3A_37, %sub3A_35 : vector<16xi32>
        %select_n3A = arith.select %lt3A_30, %sub3A_32, %add3A_38 : vector<16xi1>, vector<16xi32>
        %jit3A = arith.constant 0 : i32
        %broadcast_in_dim3A = vector.broadcast %jit3A : i32 to vector<16xi32>
        %select_n3A_39 = arith.select %lt3A_27, %broadcast_in_dim3A, %select_n3A : vector<16xi1>, vector<16xi32>
        %mul3A_40 = arith.constant 16 : i32
        %mul3A_41 = arith.muli %scan3A_22, %mul3A_40 : i32
        %swap3A = arith.index_cast %mul3A_41 : i32 to index
        %swap3A_42 = tpu.vector_load %arg6[%swap3A] {strides = array<i32>} : memref<512xi32, #tpu.memory_space<vmem>>, vector<16xi32>,
        tpu.vector_store %arg6[%swap3A], %select_n3A_39 {strides = array<i32>} : memref<512xi32, #tpu.memory_space<vmem>>, vector<16xi32>,
      }
      %scan3A_17 = arith.constant 32 : i32
      %dma_start3A = arith.constant 0 : i32
      %dma_start3A_18 = arith.constant 0 : i32
      %dma_start3A_19 = tpu.memref_slice %arg3[%dma_start3A, %dma_start3A_18] : memref<980000x16xf32, #tpu.memory_space<hbm>> -> memref<980000x16xf32, #tpu.memory_space<hbm>>
      tpu.enqueue_indirect_dma source(%dma_start3A_19 : memref<980000x16xf32, #tpu.memory_space<hbm>>) target(%arg7 : memref<512x16xf32, #tpu.memory_space<vmem>>) offsets(%arg6 : memref<512xi32, #tpu.memory_space<vmem>>) semaphore(%arg8 : memref<!tpu.dma_semaphore, #tpu.memory_space<semaphore_mem>>)
      %dma_wait3A = arith.constant 0 : i32
      %dma_wait3A_20 = arith.constant 0 : i32
      %dma_wait3A_21 = tpu.memref_slice %arg3[%dma_wait3A, %dma_wait3A_20] : memref<980000x16xf32, #tpu.memory_space<hbm>> -> memref<980000x16xf32, #tpu.memory_space<hbm>>
      tpu.wait_indirect_dma semaphore(%arg8 : memref<!tpu.dma_semaphore, #tpu.memory_space<semaphore_mem>>) src(%dma_wait3A_21 : memref<980000x16xf32, #tpu.memory_space<hbm>>) dst(%arg7 : memref<512x16xf32, #tpu.memory_space<vmem>>)
      "tpu.region"() ({
        %run_scoped3A = tpu.sem_alloc : memref<!tpu.dma_semaphore, #tpu.memory_space<semaphore_mem>>
        %dma_start3A_22 = arith.constant 0 : i32
        %dma_start3A_23 = tpu.memref_slice %arg4[%add3A_11, %dma_start3A_22] : memref<819200x16xf32, #tpu.memory_space<hbm>> -> memref<512x16xf32, #tpu.memory_space<hbm>>
        %dma_start3A_24 = arith.constant 0 : i32
        %dma_start3A_25 = tpu.memref_slice %arg4[%add3A_11, %dma_start3A_24] : memref<819200x16xf32, #tpu.memory_space<hbm>> -> memref<512x16xf32, #tpu.memory_space<hbm>>
        tpu.enqueue_dma source(%arg7 : memref<512x16xf32, #tpu.memory_space<vmem>>) target(%dma_start3A_25 : memref<512x16xf32, #tpu.memory_space<hbm>>) target_semaphore(%run_scoped3A : memref<!tpu.dma_semaphore, #tpu.memory_space<semaphore_mem>>)
        %dma_wait3A_26 = arith.constant 0 : i32
        %dma_wait3A_27 = tpu.memref_slice %arg4[%add3A_11, %dma_wait3A_26] : memref<819200x16xf32, #tpu.memory_space<hbm>> -> memref<512x16xf32, #tpu.memory_space<hbm>>
        %dma_wait3A_28 = arith.constant 0 : i32
        %dma_wait3A_29 = tpu.memref_slice %arg4[%add3A_11, %dma_wait3A_28] : memref<819200x16xf32, #tpu.memory_space<hbm>> -> memref<512x16xf32, #tpu.memory_space<hbm>>
        tpu.wait_dma2 semaphore(%run_scoped3A : memref<!tpu.dma_semaphore, #tpu.memory_space<semaphore_mem>>) src(%arg7 : memref<512x16xf32, #tpu.memory_space<vmem>>) dst(%dma_wait3A_29 : memref<512x16xf32, #tpu.memory_space<hbm>>)
        tpu.yield
      }) : () -> ()
    }
    %scan3A_7 = arith.constant 50 : i32
    return
  }
}

#map = affine_map<(d0, d1) -> (0)>
#map1 = affine_map<(d0, d1) -> (0, 0)>
module attributes {stable_mosaic.version = 14 : i64} {
  func.func @new_body(%arg0: i32, %arg1: i32, %arg2: memref<819200xi32, #tpu.memory_space<hbm>>, %arg3: memref<20000x64xf32, #tpu.memory_space<hbm>>, %arg4: memref<819200x64xf32, #tpu.memory_space<hbm>>, %arg5: memref<819200x64xf32, #tpu.memory_space<hbm>>, %arg6: memref<512xi32, #tpu.memory_space<vmem>>, %arg7: memref<25744xi32, #tpu.memory_space<vmem>>, %arg8: memref<25744xi32, #tpu.memory_space<vmem>>, %arg9: memref<128x64xf32, #tpu.memory_space<vmem>>, %arg10: memref<!tpu.dma_semaphore, #tpu.memory_space<semaphore_mem>>) attributes {dimension_semantics = [#tpu.dimension_semantics<core_parallel>, #tpu.dimension_semantics<subcore_parallel>], iteration_bounds = array<i64: 2, 16>, scalar_prefetch = 0 : i64, scratch_operands = 5 : i64, tpu.core_type = #tpu.core_type<sc_vector_subcore>, window_params = [{transform_indices = #map}, {transform_indices = #map1}, {transform_indices = #map1}, {transform_indices = #map1}]} {
    %mul3A = arith.constant 2 : i32
    %mul3A_0 = arith.muli %arg1, %mul3A : i32
    %add3A = arith.addi %mul3A_0, %arg0 : i32
    %mul3A_1 = arith.constant 25600 : i32
    %mul3A_2 = arith.muli %add3A, %mul3A_1 : i32
    %scan3A = arith.constant 0 : i32
    %scan3A_3 = arith.constant 0 : i32
    %scan3A_4 = arith.constant 50 : i32
    %scan3A_5 = arith.addi %scan3A_3, %scan3A_4 : i32
    %scan3A_6 = arith.constant 1 : i32
    %scan3A_7 = scf.for %scan3A_42 = %scan3A_3 to %scan3A_5 step %scan3A_6 iter_args(%scan3A_43 = %scan3A) -> (i32)  : i32 {
      %mul3A_44 = arith.constant 512 : i32
      %mul3A_45 = arith.muli %scan3A_42, %mul3A_44 : i32
      %add3A_46 = arith.addi %mul3A_2, %mul3A_45 : i32
      "tpu.region"() ({
        %run_scoped3A = tpu.sem_alloc : memref<!tpu.dma_semaphore, #tpu.memory_space<semaphore_mem>>
        %dma_start3A = tpu.memref_slice %arg2[%add3A_46] : memref<819200xi32, #tpu.memory_space<hbm>> -> memref<512xi32, #tpu.memory_space<hbm>>
        %dma_start3A_53 = tpu.memref_slice %arg2[%add3A_46] : memref<819200xi32, #tpu.memory_space<hbm>> -> memref<512xi32, #tpu.memory_space<hbm>>
        tpu.enqueue_dma source(%dma_start3A_53 : memref<512xi32, #tpu.memory_space<hbm>>) target(%arg6 : memref<512xi32, #tpu.memory_space<vmem>>) target_semaphore(%run_scoped3A : memref<!tpu.dma_semaphore, #tpu.memory_space<semaphore_mem>>)
        %dma_wait3A = tpu.memref_slice %arg2[%add3A_46] : memref<819200xi32, #tpu.memory_space<hbm>> -> memref<512xi32, #tpu.memory_space<hbm>>
        %dma_wait3A_54 = tpu.memref_slice %arg2[%add3A_46] : memref<819200xi32, #tpu.memory_space<hbm>> -> memref<512xi32, #tpu.memory_space<hbm>>
        tpu.wait_dma2 semaphore(%run_scoped3A : memref<!tpu.dma_semaphore, #tpu.memory_space<semaphore_mem>>) src(%dma_wait3A_54 : memref<512xi32, #tpu.memory_space<hbm>>) dst(%arg6 : memref<512xi32, #tpu.memory_space<vmem>>)
        tpu.yield
      }) : () -> ()
      %scan3A_47 = arith.constant 0 : i32
      %scan3A_48 = arith.constant 32 : i32
      %scan3A_49 = arith.addi %scan3A_47, %scan3A_48 : i32
      %scan3A_50 = arith.constant 1 : i32
      %scan3A_51 = scf.for %scan3A_53 = %scan3A_47 to %scan3A_49 step %scan3A_50 iter_args(%scan3A_54 = %scan3A_43) -> (i32)  : i32 {
        %mul3A_55 = arith.constant 16 : i32
        %mul3A_56 = arith.muli %scan3A_53, %mul3A_55 : i32
        %get3A = arith.index_cast %mul3A_56 : i32 to index
        %get3A_57 = tpu.vector_load %arg6[%get3A] {strides = array<i32>} : memref<512xi32, #tpu.memory_space<vmem>>, vector<16xi32>,
        %lt3A = arith.constant 20000 : i32
        %lt3A_58 = vector.broadcast %lt3A : i32 to vector<16xi32>
        %lt3A_59 = arith.cmpi slt, %get3A_57, %lt3A_58 : vector<16xi32>
        %jit3A_60 = arith.constant 1 : i32
        %jit3A_61 = arith.constant 0 : i32
        %broadcast_in_dim3A = vector.broadcast %jit3A_60 : i32 to vector<16xi32>
        %broadcast_in_dim3A_62 = vector.broadcast %jit3A_61 : i32 to vector<16xi32>
        %select_n3A_63 = arith.select %lt3A_59, %broadcast_in_dim3A, %broadcast_in_dim3A_62 : vector<16xi1>, vector<16xi32>
        %broadcast_in_dim3A_64 = arith.constant true
        %broadcast_in_dim3A_65 = vector.broadcast %broadcast_in_dim3A_64 : i1 to vector<16xi1>
        %masked_cumsum3A = tpu.scan <sum>, %select_n3A_63 masked %broadcast_in_dim3A_65 : vector<16xi32>, vector<16xi1> -> vector<16xi32>
        %sub3A_66 = arith.subi %masked_cumsum3A, %select_n3A_63 : vector<16xi32>
        %add3A_67 = vector.broadcast %scan3A_54 : i32 to vector<16xi32>
        %add3A_68 = arith.addi %add3A_67, %sub3A_66 : vector<16xi32>
        %jit3A_69 = arith.constant 25743 : i32
        %broadcast_in_dim3A_70 = vector.broadcast %jit3A_69 : i32 to vector<16xi32>
        %select_n3A_71 = arith.select %lt3A_59, %add3A_68, %broadcast_in_dim3A_70 : vector<16xi1>, vector<16xi32>
        %mul3A_72 = arith.constant 16 : i32
        %mul3A_73 = arith.muli %scan3A_53, %mul3A_72 : i32
        %add3A_74 = arith.addi %add3A_46, %mul3A_73 : i32
        %iota3A = tpu.iota {dimensions = array<i32: 0>} : vector<16xi32>
        %add3A_75 = vector.broadcast %add3A_74 : i32 to vector<16xi32>
        %add3A_76 = arith.addi %add3A_75, %iota3A : vector<16xi32>
        tpu.vector_store_idx %arg7[%select_n3A_71], %add3A_76 : memref<25744xi32, #tpu.memory_space<vmem>>[vector<16xi32>], vector<16xi32>,
        tpu.vector_store_idx %arg8[%select_n3A_71], %get3A_57 : memref<25744xi32, #tpu.memory_space<vmem>>[vector<16xi32>], vector<16xi32>,
        %reduce_sum3A = arith.constant true
        %reduce_sum3A_77 = vector.broadcast %reduce_sum3A : i1 to vector<16xi1>
        %reduce_sum3A_78 = tpu.scan <sum>, %select_n3A_63 masked %reduce_sum3A_77 : vector<16xi32>, vector<16xi1> -> vector<16xi32>
        %reduce_sum3A_79 = vector.extract %reduce_sum3A_78[15] : i32 from vector<16xi32>
        %add3A_80 = arith.addi %scan3A_54, %reduce_sum3A_79 : i32
        scf.yield %add3A_80 : i32
      }
      %scan3A_52 = arith.constant 32 : i32
      scf.yield %scan3A_51 : i32
    }
    %scan3A_8 = arith.constant 50 : i32
    %add3A_9 = arith.constant 128 : i32
    %add3A_10 = arith.addi %scan3A_7, %add3A_9 : i32
    %sub3A = arith.constant 1 : i32
    %sub3A_11 = arith.subi %add3A_10, %sub3A : i32
    %jit3A = arith.constant 128 : i32
    %div3A = arith.divsi %sub3A_11, %jit3A : i32
    %sign3A = arith.constant 0 : i32
    %sign3A_12 = arith.cmpi sgt, %sub3A_11, %sign3A : i32
    %sign3A_13 = arith.extui %sign3A_12 : i1 to i32
    %sign3A_14 = arith.constant 0 : i32
    %sign3A_15 = arith.cmpi slt, %sub3A_11, %sign3A_14 : i32
    %sign3A_16 = arith.extui %sign3A_15 : i1 to i32
    %sign3A_17 = arith.subi %sign3A_13, %sign3A_16 : i32
    %sign3A_18 = arith.constant 0 : i32
    %sign3A_19 = arith.cmpi sgt, %jit3A, %sign3A_18 : i32
    %sign3A_20 = arith.extui %sign3A_19 : i1 to i32
    %sign3A_21 = arith.constant 0 : i32
    %sign3A_22 = arith.cmpi slt, %jit3A, %sign3A_21 : i32
    %sign3A_23 = arith.extui %sign3A_22 : i1 to i32
    %sign3A_24 = arith.subi %sign3A_20, %sign3A_23 : i32
    %ne3A = arith.cmpi ne, %sign3A_17, %sign3A_24 : i32
    %rem3A = arith.remsi %sub3A_11, %jit3A : i32
    %ne3A_25 = arith.constant 0 : i32
    %ne3A_26 = arith.cmpi ne, %rem3A, %ne3A_25 : i32
    %and3A = arith.andi %ne3A, %ne3A_26 : i1
    %sub3A_27 = arith.constant 1 : i32
    %sub3A_28 = arith.subi %div3A, %sub3A_27 : i32
    %select_n3A = arith.select %and3A, %sub3A_28, %div3A : i32
    %mul3A_29 = arith.constant 128 : i32
    %mul3A_30 = arith.muli %select_n3A, %mul3A_29 : i32
    %gt3A = arith.constant 0 : i32
    %gt3A_31 = arith.cmpi sgt, %scan3A_7, %gt3A : i32
    %convert_element_type3A = arith.extui %gt3A_31 : i1 to i32
    %cond3A = arith.constant 0 : i32
    %cond3A_32 = arith.cmpi ne, %convert_element_type3A, %cond3A : i32
    scf.if %cond3A_32 {
      %iota3A = tpu.iota {dimensions = array<i32: 0>} : vector<16xi32>
      %eq3A = arith.constant 0 : i32
      %eq3A_42 = vector.broadcast %eq3A : i32 to vector<16xi32>
      %eq3A_43 = arith.cmpi eq, %iota3A, %eq3A_42 : vector<16xi32>
      %get3A = arith.constant 0 : index
      %get3A_44 = tpu.vector_load %arg7[%get3A] {strides = array<i32>} : memref<25744xi32, #tpu.memory_space<vmem>>, vector<16xi32>,
      %jit3A_45 = arith.constant 0 : i32
      %broadcast_in_dim3A = vector.broadcast %jit3A_45 : i32 to vector<16xi32>
      %select_n3A_46 = arith.select %eq3A_43, %get3A_44, %broadcast_in_dim3A : vector<16xi1>, vector<16xi32>
      %reduce_sum3A = arith.constant true
      %reduce_sum3A_47 = vector.broadcast %reduce_sum3A : i1 to vector<16xi1>
      %reduce_sum3A_48 = tpu.scan <sum>, %select_n3A_46 masked %reduce_sum3A_47 : vector<16xi32>, vector<16xi1> -> vector<16xi32>
      %reduce_sum3A_49 = vector.extract %reduce_sum3A_48[15] : i32 from vector<16xi32>
      %get3A_50 = arith.constant 0 : index
      %get3A_51 = tpu.vector_load %arg8[%get3A_50] {strides = array<i32>} : memref<25744xi32, #tpu.memory_space<vmem>>, vector<16xi32>,
      %jit3A_52 = arith.constant 0 : i32
      %broadcast_in_dim3A_53 = vector.broadcast %jit3A_52 : i32 to vector<16xi32>
      %select_n3A_54 = arith.select %eq3A_43, %get3A_51, %broadcast_in_dim3A_53 : vector<16xi1>, vector<16xi32>
      %reduce_sum3A_55 = arith.constant true
      %reduce_sum3A_56 = vector.broadcast %reduce_sum3A_55 : i1 to vector<16xi1>
      %reduce_sum3A_57 = tpu.scan <sum>, %select_n3A_54 masked %reduce_sum3A_56 : vector<16xi32>, vector<16xi1> -> vector<16xi32>
      %reduce_sum3A_58 = vector.extract %reduce_sum3A_57[15] : i32 from vector<16xi32>
      %jit3A_59 = arith.constant 16 : i32
      %div3A_60 = arith.divsi %scan3A_7, %jit3A_59 : i32
      %sign3A_61 = arith.constant 0 : i32
      %sign3A_62 = arith.cmpi sgt, %scan3A_7, %sign3A_61 : i32
      %sign3A_63 = arith.extui %sign3A_62 : i1 to i32
      %sign3A_64 = arith.constant 0 : i32
      %sign3A_65 = arith.cmpi slt, %scan3A_7, %sign3A_64 : i32
      %sign3A_66 = arith.extui %sign3A_65 : i1 to i32
      %sign3A_67 = arith.subi %sign3A_63, %sign3A_66 : i32
      %sign3A_68 = arith.constant 0 : i32
      %sign3A_69 = arith.cmpi sgt, %jit3A_59, %sign3A_68 : i32
      %sign3A_70 = arith.extui %sign3A_69 : i1 to i32
      %sign3A_71 = arith.constant 0 : i32
      %sign3A_72 = arith.cmpi slt, %jit3A_59, %sign3A_71 : i32
      %sign3A_73 = arith.extui %sign3A_72 : i1 to i32
      %sign3A_74 = arith.subi %sign3A_70, %sign3A_73 : i32
      %ne3A_75 = arith.cmpi ne, %sign3A_67, %sign3A_74 : i32
      %rem3A_76 = arith.remsi %scan3A_7, %jit3A_59 : i32
      %ne3A_77 = arith.constant 0 : i32
      %ne3A_78 = arith.cmpi ne, %rem3A_76, %ne3A_77 : i32
      %and3A_79 = arith.andi %ne3A_75, %ne3A_78 : i1
      %sub3A_80 = arith.constant 1 : i32
      %sub3A_81 = arith.subi %div3A_60, %sub3A_80 : i32
      %select_n3A_82 = arith.select %and3A_79, %sub3A_81, %div3A_60 : i32
      %add3A_83 = arith.constant 15 : i32
      %add3A_84 = arith.addi %mul3A_30, %add3A_83 : i32
      %jit3A_85 = arith.constant 16 : i32
      %div3A_86 = arith.divsi %add3A_84, %jit3A_85 : i32
      %sign3A_87 = arith.constant 0 : i32
      %sign3A_88 = arith.cmpi sgt, %add3A_84, %sign3A_87 : i32
      %sign3A_89 = arith.extui %sign3A_88 : i1 to i32
      %sign3A_90 = arith.constant 0 : i32
      %sign3A_91 = arith.cmpi slt, %add3A_84, %sign3A_90 : i32
      %sign3A_92 = arith.extui %sign3A_91 : i1 to i32
      %sign3A_93 = arith.subi %sign3A_89, %sign3A_92 : i32
      %sign3A_94 = arith.constant 0 : i32
      %sign3A_95 = arith.cmpi sgt, %jit3A_85, %sign3A_94 : i32
      %sign3A_96 = arith.extui %sign3A_95 : i1 to i32
      %sign3A_97 = arith.constant 0 : i32
      %sign3A_98 = arith.cmpi slt, %jit3A_85, %sign3A_97 : i32
      %sign3A_99 = arith.extui %sign3A_98 : i1 to i32
      %sign3A_100 = arith.subi %sign3A_96, %sign3A_99 : i32
      %ne3A_101 = arith.cmpi ne, %sign3A_93, %sign3A_100 : i32
      %rem3A_102 = arith.remsi %add3A_84, %jit3A_85 : i32
      %ne3A_103 = arith.constant 0 : i32
      %ne3A_104 = arith.cmpi ne, %rem3A_102, %ne3A_103 : i32
      %and3A_105 = arith.andi %ne3A_101, %ne3A_104 : i1
      %sub3A_106 = arith.constant 1 : i32
      %sub3A_107 = arith.subi %div3A_86, %sub3A_106 : i32
      %select_n3A_108 = arith.select %and3A_105, %sub3A_107, %div3A_86 : i32
      %while3A_109 = arith.constant 0 : i32
      %while3A_110 = arith.subi %select_n3A_108, %select_n3A_82 : i32
      %while3A_111 = arith.addi %select_n3A_82, %while3A_110 : i32
      %while3A_112 = arith.constant 1 : i32
      %while3A_113 = arith.divsi %while3A_110, %while3A_112 : i32
      %while3A_114 = arith.muli %while3A_113, %while3A_112 : i32
      %while3A_115 = arith.addi %select_n3A_82, %while3A_114 : i32
      %while3A_116 = arith.constant 1 : i32
      scf.for %while3A_118 = %select_n3A_82 to %while3A_115 step %while3A_116  : i32 {
        %mul3A_119 = arith.constant 16 : i32
        %mul3A_120 = arith.muli %while3A_118, %mul3A_119 : i32
        %iota3A_121 = tpu.iota {dimensions = array<i32: 0>} : vector<16xi32>
        %add3A_122 = vector.broadcast %mul3A_120 : i32 to vector<16xi32>
        %add3A_123 = arith.addi %add3A_122, %iota3A_121 : vector<16xi32>
        %ge3A = vector.broadcast %scan3A_7 : i32 to vector<16xi32>
        %ge3A_124 = arith.cmpi sge, %add3A_123, %ge3A : vector<16xi32>
        %mul3A_125 = arith.constant 16 : i32
        %mul3A_126 = arith.muli %while3A_118, %mul3A_125 : i32
        %get3A_127 = arith.index_cast %mul3A_126 : i32 to index
        %get3A_128 = tpu.vector_load %arg7[%get3A_127] {strides = array<i32>} : memref<25744xi32, #tpu.memory_space<vmem>>, vector<16xi32>,
        %mul3A_129 = arith.constant 16 : i32
        %mul3A_130 = arith.muli %while3A_118, %mul3A_129 : i32
        %get3A_131 = arith.index_cast %mul3A_130 : i32 to index
        %get3A_132 = tpu.vector_load %arg8[%get3A_131] {strides = array<i32>} : memref<25744xi32, #tpu.memory_space<vmem>>, vector<16xi32>,
        %broadcast_in_dim3A_133 = vector.broadcast %reduce_sum3A_49 : i32 to vector<16xi32>
        %select_n3A_134 = arith.select %ge3A_124, %broadcast_in_dim3A_133, %get3A_128 : vector<16xi1>, vector<16xi32>
        %mul3A_135 = arith.constant 16 : i32
        %mul3A_136 = arith.muli %while3A_118, %mul3A_135 : i32
        %swap3A = arith.index_cast %mul3A_136 : i32 to index
        %swap3A_137 = tpu.vector_load %arg7[%swap3A] {strides = array<i32>} : memref<25744xi32, #tpu.memory_space<vmem>>, vector<16xi32>,
        tpu.vector_store %arg7[%swap3A], %select_n3A_134 {strides = array<i32>} : memref<25744xi32, #tpu.memory_space<vmem>>, vector<16xi32>,
        %broadcast_in_dim3A_138 = vector.broadcast %reduce_sum3A_58 : i32 to vector<16xi32>
        %select_n3A_139 = arith.select %ge3A_124, %broadcast_in_dim3A_138, %get3A_132 : vector<16xi1>, vector<16xi32>
        %mul3A_140 = arith.constant 16 : i32
        %mul3A_141 = arith.muli %while3A_118, %mul3A_140 : i32
        %swap3A_142 = arith.index_cast %mul3A_141 : i32 to index
        %swap3A_143 = tpu.vector_load %arg8[%swap3A_142] {strides = array<i32>} : memref<25744xi32, #tpu.memory_space<vmem>>, vector<16xi32>,
        tpu.vector_store %arg8[%swap3A_142], %select_n3A_139 {strides = array<i32>} : memref<25744xi32, #tpu.memory_space<vmem>>, vector<16xi32>,
      }
      %while3A_117 = arith.constant 1 : i32
      scf.for %while3A_118 = %while3A_115 to %while3A_111 step %while3A_117  : i32 {
        %mul3A_119 = arith.constant 16 : i32
        %mul3A_120 = arith.muli %while3A_118, %mul3A_119 : i32
        %iota3A_121 = tpu.iota {dimensions = array<i32: 0>} : vector<16xi32>
        %add3A_122 = vector.broadcast %mul3A_120 : i32 to vector<16xi32>
        %add3A_123 = arith.addi %add3A_122, %iota3A_121 : vector<16xi32>
        %ge3A = vector.broadcast %scan3A_7 : i32 to vector<16xi32>
        %ge3A_124 = arith.cmpi sge, %add3A_123, %ge3A : vector<16xi32>
        %mul3A_125 = arith.constant 16 : i32
        %mul3A_126 = arith.muli %while3A_118, %mul3A_125 : i32
        %get3A_127 = arith.index_cast %mul3A_126 : i32 to index
        %get3A_128 = tpu.vector_load %arg7[%get3A_127] {strides = array<i32>} : memref<25744xi32, #tpu.memory_space<vmem>>, vector<16xi32>,
        %mul3A_129 = arith.constant 16 : i32
        %mul3A_130 = arith.muli %while3A_118, %mul3A_129 : i32
        %get3A_131 = arith.index_cast %mul3A_130 : i32 to index
        %get3A_132 = tpu.vector_load %arg8[%get3A_131] {strides = array<i32>} : memref<25744xi32, #tpu.memory_space<vmem>>, vector<16xi32>,
        %broadcast_in_dim3A_133 = vector.broadcast %reduce_sum3A_49 : i32 to vector<16xi32>
        %select_n3A_134 = arith.select %ge3A_124, %broadcast_in_dim3A_133, %get3A_128 : vector<16xi1>, vector<16xi32>
        %mul3A_135 = arith.constant 16 : i32
        %mul3A_136 = arith.muli %while3A_118, %mul3A_135 : i32
        %swap3A = arith.index_cast %mul3A_136 : i32 to index
        %swap3A_137 = tpu.vector_load %arg7[%swap3A] {strides = array<i32>} : memref<25744xi32, #tpu.memory_space<vmem>>, vector<16xi32>,
        tpu.vector_store %arg7[%swap3A], %select_n3A_134 {strides = array<i32>} : memref<25744xi32, #tpu.memory_space<vmem>>, vector<16xi32>,
        %broadcast_in_dim3A_138 = vector.broadcast %reduce_sum3A_58 : i32 to vector<16xi32>
        %select_n3A_139 = arith.select %ge3A_124, %broadcast_in_dim3A_138, %get3A_132 : vector<16xi1>, vector<16xi32>
        %mul3A_140 = arith.constant 16 : i32
        %mul3A_141 = arith.muli %while3A_118, %mul3A_140 : i32
        %swap3A_142 = arith.index_cast %mul3A_141 : i32 to index
        %swap3A_143 = tpu.vector_load %arg8[%swap3A_142] {strides = array<i32>} : memref<25744xi32, #tpu.memory_space<vmem>>, vector<16xi32>,
        tpu.vector_store %arg8[%swap3A_142], %select_n3A_139 {strides = array<i32>} : memref<25744xi32, #tpu.memory_space<vmem>>, vector<16xi32>,
      }
    } else {
    }
    %while3A = arith.constant 0 : i32
    %while3A_33 = arith.constant 0 : i32
    %while3A_34 = arith.subi %select_n3A, %while3A_33 : i32
    %while3A_35 = arith.addi %while3A_33, %while3A_34 : i32
    %while3A_36 = arith.constant 1 : i32
    %while3A_37 = arith.divsi %while3A_34, %while3A_36 : i32
    %while3A_38 = arith.muli %while3A_37, %while3A_36 : i32
    %while3A_39 = arith.addi %while3A_33, %while3A_38 : i32
    %while3A_40 = arith.constant 1 : i32
    scf.for %while3A_42 = %while3A_33 to %while3A_39 step %while3A_40  : i32 {
      %mul3A_43 = arith.constant 128 : i32
      %mul3A_44 = arith.muli %while3A_42, %mul3A_43 : i32
      %dma_start3A = tpu.memref_slice %arg8[%mul3A_44] : memref<25744xi32, #tpu.memory_space<vmem>> -> memref<128xi32, #tpu.memory_space<vmem>>
      %dma_start3A_45 = arith.constant 0 : i32
      %dma_start3A_46 = arith.constant 0 : i32
      %dma_start3A_47 = tpu.memref_slice %arg3[%dma_start3A_45, %dma_start3A_46] : memref<20000x64xf32, #tpu.memory_space<hbm>> -> memref<20000x64xf32, #tpu.memory_space<hbm>>
      tpu.enqueue_indirect_dma source(%dma_start3A_47 : memref<20000x64xf32, #tpu.memory_space<hbm>>) target(%arg9 : memref<128x64xf32, #tpu.memory_space<vmem>>) offsets(%dma_start3A : memref<128xi32, #tpu.memory_space<vmem>>) semaphore(%arg10 : memref<!tpu.dma_semaphore, #tpu.memory_space<semaphore_mem>>)
      %dma_wait3A = tpu.memref_slice %arg8[%mul3A_44] : memref<25744xi32, #tpu.memory_space<vmem>> -> memref<128xi32, #tpu.memory_space<vmem>>
      %dma_wait3A_48 = arith.constant 0 : i32
      %dma_wait3A_49 = arith.constant 0 : i32
      %dma_wait3A_50 = tpu.memref_slice %arg3[%dma_wait3A_48, %dma_wait3A_49] : memref<20000x64xf32, #tpu.memory_space<hbm>> -> memref<20000x64xf32, #tpu.memory_space<hbm>>
      tpu.wait_indirect_dma semaphore(%arg10 : memref<!tpu.dma_semaphore, #tpu.memory_space<semaphore_mem>>) src(%dma_wait3A_50 : memref<20000x64xf32, #tpu.memory_space<hbm>>) dst(%arg9 : memref<128x64xf32, #tpu.memory_space<vmem>>)
      %dma_start3A_51 = tpu.memref_slice %arg7[%mul3A_44] : memref<25744xi32, #tpu.memory_space<vmem>> -> memref<128xi32, #tpu.memory_space<vmem>>
      %dma_start3A_52 = arith.constant 0 : i32
      %dma_start3A_53 = arith.constant 0 : i32
      %dma_start3A_54 = tpu.memref_slice %arg4[%dma_start3A_52, %dma_start3A_53] : memref<819200x64xf32, #tpu.memory_space<hbm>> -> memref<819200x64xf32, #tpu.memory_space<hbm>>
      tpu.enqueue_indirect_dma source(%arg9 : memref<128x64xf32, #tpu.memory_space<vmem>>) target(%dma_start3A_54 : memref<819200x64xf32, #tpu.memory_space<hbm>>) offsets(%dma_start3A_51 : memref<128xi32, #tpu.memory_space<vmem>>) semaphore(%arg10 : memref<!tpu.dma_semaphore, #tpu.memory_space<semaphore_mem>>)
      %dma_wait3A_55 = tpu.memref_slice %arg7[%mul3A_44] : memref<25744xi32, #tpu.memory_space<vmem>> -> memref<128xi32, #tpu.memory_space<vmem>>
      %dma_wait3A_56 = arith.constant 0 : i32
      %dma_wait3A_57 = arith.constant 0 : i32
      %dma_wait3A_58 = tpu.memref_slice %arg4[%dma_wait3A_56, %dma_wait3A_57] : memref<819200x64xf32, #tpu.memory_space<hbm>> -> memref<819200x64xf32, #tpu.memory_space<hbm>>
      tpu.wait_indirect_dma semaphore(%arg10 : memref<!tpu.dma_semaphore, #tpu.memory_space<semaphore_mem>>) src(%arg9 : memref<128x64xf32, #tpu.memory_space<vmem>>) dst(%dma_wait3A_58 : memref<819200x64xf32, #tpu.memory_space<hbm>>)
    }
    %while3A_41 = arith.constant 1 : i32
    scf.for %while3A_42 = %while3A_39 to %while3A_35 step %while3A_41  : i32 {
      %mul3A_43 = arith.constant 128 : i32
      %mul3A_44 = arith.muli %while3A_42, %mul3A_43 : i32
      %dma_start3A = tpu.memref_slice %arg8[%mul3A_44] : memref<25744xi32, #tpu.memory_space<vmem>> -> memref<128xi32, #tpu.memory_space<vmem>>
      %dma_start3A_45 = arith.constant 0 : i32
      %dma_start3A_46 = arith.constant 0 : i32
      %dma_start3A_47 = tpu.memref_slice %arg3[%dma_start3A_45, %dma_start3A_46] : memref<20000x64xf32, #tpu.memory_space<hbm>> -> memref<20000x64xf32, #tpu.memory_space<hbm>>
      tpu.enqueue_indirect_dma source(%dma_start3A_47 : memref<20000x64xf32, #tpu.memory_space<hbm>>) target(%arg9 : memref<128x64xf32, #tpu.memory_space<vmem>>) offsets(%dma_start3A : memref<128xi32, #tpu.memory_space<vmem>>) semaphore(%arg10 : memref<!tpu.dma_semaphore, #tpu.memory_space<semaphore_mem>>)
      %dma_wait3A = tpu.memref_slice %arg8[%mul3A_44] : memref<25744xi32, #tpu.memory_space<vmem>> -> memref<128xi32, #tpu.memory_space<vmem>>
      %dma_wait3A_48 = arith.constant 0 : i32
      %dma_wait3A_49 = arith.constant 0 : i32
      %dma_wait3A_50 = tpu.memref_slice %arg3[%dma_wait3A_48, %dma_wait3A_49] : memref<20000x64xf32, #tpu.memory_space<hbm>> -> memref<20000x64xf32, #tpu.memory_space<hbm>>
      tpu.wait_indirect_dma semaphore(%arg10 : memref<!tpu.dma_semaphore, #tpu.memory_space<semaphore_mem>>) src(%dma_wait3A_50 : memref<20000x64xf32, #tpu.memory_space<hbm>>) dst(%arg9 : memref<128x64xf32, #tpu.memory_space<vmem>>)
      %dma_start3A_51 = tpu.memref_slice %arg7[%mul3A_44] : memref<25744xi32, #tpu.memory_space<vmem>> -> memref<128xi32, #tpu.memory_space<vmem>>
      %dma_start3A_52 = arith.constant 0 : i32
      %dma_start3A_53 = arith.constant 0 : i32
      %dma_start3A_54 = tpu.memref_slice %arg4[%dma_start3A_52, %dma_start3A_53] : memref<819200x64xf32, #tpu.memory_space<hbm>> -> memref<819200x64xf32, #tpu.memory_space<hbm>>
      tpu.enqueue_indirect_dma source(%arg9 : memref<128x64xf32, #tpu.memory_space<vmem>>) target(%dma_start3A_54 : memref<819200x64xf32, #tpu.memory_space<hbm>>) offsets(%dma_start3A_51 : memref<128xi32, #tpu.memory_space<vmem>>) semaphore(%arg10 : memref<!tpu.dma_semaphore, #tpu.memory_space<semaphore_mem>>)
      %dma_wait3A_55 = tpu.memref_slice %arg7[%mul3A_44] : memref<25744xi32, #tpu.memory_space<vmem>> -> memref<128xi32, #tpu.memory_space<vmem>>
      %dma_wait3A_56 = arith.constant 0 : i32
      %dma_wait3A_57 = arith.constant 0 : i32
      %dma_wait3A_58 = tpu.memref_slice %arg4[%dma_wait3A_56, %dma_wait3A_57] : memref<819200x64xf32, #tpu.memory_space<hbm>> -> memref<819200x64xf32, #tpu.memory_space<hbm>>
      tpu.wait_indirect_dma semaphore(%arg10 : memref<!tpu.dma_semaphore, #tpu.memory_space<semaphore_mem>>) src(%arg9 : memref<128x64xf32, #tpu.memory_space<vmem>>) dst(%dma_wait3A_58 : memref<819200x64xf32, #tpu.memory_space<hbm>>)
    }
    return
  }
}

module attributes {stable_mosaic.version = 14 : i64} {
  func.func @_tc_p0_body(%arg0: i32, %arg1: memref<2000x64xf32, #tpu.memory_space<vmem>>, %arg2: memref<64x64xf32, #tpu.memory_space<vmem>>, %arg3: memref<2000x64xf32, #tpu.memory_space<vmem>>) attributes {dimension_semantics = [#tpu.dimension_semantics<arbitrary>], iteration_bounds = array<i64: 10>, scalar_prefetch = 0 : i64, scratch_operands = 0 : i64, tpu.core_type = #tpu.core_type<tc>, window_params = [{transform_indices = @transform_0, window_bounds = array<i64: 2000, 64>}, {pipeline_mode = #tpu.pipeline_mode<synchronous>, transform_indices = @transform_1, window_bounds = array<i64: 64, 64>}, {transform_indices = @transform_2, window_bounds = array<i64: 2000, 64>}]} {
    %get3A = arith.constant 0 : index
    %get3A_0 = arith.constant 0 : index
    %get3A_1 = vector.load %arg1[%get3A, %get3A_0] : memref<2000x64xf32, #tpu.memory_space<vmem>>, vector<2000x64xf32>
    %get3A_2 = arith.constant 0 : index
    %get3A_3 = arith.constant 0 : index
    %get3A_4 = vector.load %arg2[%get3A_2, %get3A_3] : memref<64x64xf32, #tpu.memory_space<vmem>>, vector<64x64xf32>
    %dot_general3A = arith.constant dense<0.000000e+00> : vector<2000x64xf32>
    %dot_general3A_5 = tpu.matmul %get3A_1, %get3A_4, %dot_general3A {dimension_numbers = #tpu.dot_dimension_numbers<[1], [0], [0], [1], [0, 0, 1, 1], [], []>, transpose_lhs_hint = false} : vector<2000x64xf32>, vector<64x64xf32>, vector<2000x64xf32> -> vector<2000x64xf32>
    %swap3A = arith.constant 0 : index
    %swap3A_6 = arith.constant 0 : index
    %swap3A_7 = vector.load %arg3[%swap3A, %swap3A_6] : memref<2000x64xf32, #tpu.memory_space<vmem>>, vector<2000x64xf32>
    tpu.vector_store %arg3[%swap3A, %swap3A_6], %dot_general3A_5 {strides = array<i32>} : memref<2000x64xf32, #tpu.memory_space<vmem>>, vector<2000x64xf32>,
    return
  }
  func.func @transform_0(%arg0: i32) -> (i32, i32) {
    %c0_i32 = arith.constant 0 : i32
    %c0_i32_0 = arith.constant 0 : i32
    return %arg0, %c0_i32 : i32, i32
  }
  func.func @transform_1(%arg0: i32) -> (i32, i32) {
    %c0_i32 = arith.constant 0 : i32
    %c0_i32_0 = arith.constant 0 : i32
    %c0_i32_1 = arith.constant 0 : i32
    return %c0_i32, %c0_i32_0 : i32, i32
  }
  func.func @transform_2(%arg0: i32) -> (i32, i32) {
    %c0_i32 = arith.constant 0 : i32
    %c0_i32_0 = arith.constant 0 : i32
    return %arg0, %c0_i32 : i32, i32
  }
}

module attributes {stable_mosaic.version = 14 : i64} {
  func.func @_tc_body(%arg0: i32, %arg1: memref<1024x128xf32, #tpu.memory_space<vmem>>, %arg2: memref<1024x128xf32, #tpu.memory_space<vmem>>, %arg3: memref<128x512xf32, #tpu.memory_space<vmem>>, %arg4: memref<128x512xf32, #tpu.memory_space<vmem>>, %arg5: memref<4096x128xf32, #tpu.memory_space<vmem>>) attributes {dimension_semantics = [#tpu.dimension_semantics<arbitrary>], iteration_bounds = array<i64: 100>, scalar_prefetch = 0 : i64, scratch_operands = 0 : i64, tpu.core_type = #tpu.core_type<tc>, window_params = [{transform_indices = @transform_0, window_bounds = array<i64: 1024, 128>}, {transform_indices = @transform_1, window_bounds = array<i64: 1024, 128>}, {pipeline_mode = #tpu.pipeline_mode<synchronous>, transform_indices = @transform_2, window_bounds = array<i64: 128, 512>}, {pipeline_mode = #tpu.pipeline_mode<synchronous>, transform_indices = @transform_3, window_bounds = array<i64: 128, 512>}, {transform_indices = @transform_4, window_bounds = array<i64: 4096, 128>}]} {
    %get3A = arith.constant 0 : index
    %get3A_0 = arith.constant 0 : index
    %get3A_1 = vector.load %arg1[%get3A, %get3A_0] : memref<1024x128xf32, #tpu.memory_space<vmem>>, vector<1024x128xf32>
    %get3A_2 = arith.constant 0 : index
    %get3A_3 = arith.constant 0 : index
    %get3A_4 = vector.load %arg3[%get3A_2, %get3A_3] : memref<128x512xf32, #tpu.memory_space<vmem>>, vector<128x512xf32>
    %dot_general3A = arith.constant dense<0.000000e+00> : vector<1024x512xf32>
    %dot_general3A_5 = tpu.matmul %get3A_1, %get3A_4, %dot_general3A {dimension_numbers = #tpu.dot_dimension_numbers<[1], [0], [0], [1], [0, 0, 1, 1], [], []>, transpose_lhs_hint = false} : vector<1024x128xf32>, vector<128x512xf32>, vector<1024x512xf32> -> vector<1024x512xf32>
    %get3A_6 = arith.constant 0 : index
    %get3A_7 = arith.constant 0 : index
    %get3A_8 = vector.load %arg2[%get3A_6, %get3A_7] : memref<1024x128xf32, #tpu.memory_space<vmem>>, vector<1024x128xf32>
    %mul3A = arith.mulf %get3A_1, %get3A_8 : vector<1024x128xf32>
    %get3A_9 = arith.constant 0 : index
    %get3A_10 = arith.constant 0 : index
    %get3A_11 = vector.load %arg4[%get3A_9, %get3A_10] : memref<128x512xf32, #tpu.memory_space<vmem>>, vector<128x512xf32>
    %dot_general3A_12 = arith.constant dense<0.000000e+00> : vector<1024x512xf32>
    %dot_general3A_13 = tpu.matmul %mul3A, %get3A_11, %dot_general3A_12 {dimension_numbers = #tpu.dot_dimension_numbers<[1], [0], [0], [1], [0, 0, 1, 1], [], []>, transpose_lhs_hint = false} : vector<1024x128xf32>, vector<128x512xf32>, vector<1024x512xf32> -> vector<1024x512xf32>
    %add3A = arith.addf %dot_general3A_5, %dot_general3A_13 : vector<1024x512xf32>
    %reshape3A = vector.shape_cast %add3A : vector<1024x512xf32> to vector<4096x128xf32>
    %swap3A = arith.constant 0 : index
    %swap3A_14 = arith.constant 0 : index
    %swap3A_15 = vector.load %arg5[%swap3A, %swap3A_14] : memref<4096x128xf32, #tpu.memory_space<vmem>>, vector<4096x128xf32>
    tpu.vector_store %arg5[%swap3A, %swap3A_14], %reshape3A {strides = array<i32>} : memref<4096x128xf32, #tpu.memory_space<vmem>>, vector<4096x128xf32>,
    return
  }
  func.func @transform_0(%arg0: i32) -> (i32, i32) {
    %c0_i32 = arith.constant 0 : i32
    %c0_i32_0 = arith.constant 0 : i32
    return %arg0, %c0_i32 : i32, i32
  }
  func.func @transform_1(%arg0: i32) -> (i32, i32) {
    %c0_i32 = arith.constant 0 : i32
    %c0_i32_0 = arith.constant 0 : i32
    return %arg0, %c0_i32 : i32, i32
  }
  func.func @transform_2(%arg0: i32) -> (i32, i32) {
    %c0_i32 = arith.constant 0 : i32
    %c0_i32_0 = arith.constant 0 : i32
    %c0_i32_1 = arith.constant 0 : i32
    return %c0_i32, %c0_i32_0 : i32, i32
  }
  func.func @transform_3(%arg0: i32) -> (i32, i32) {
    %c0_i32 = arith.constant 0 : i32
    %c0_i32_0 = arith.constant 0 : i32
    %c0_i32_1 = arith.constant 0 : i32
    return %c0_i32, %c0_i32_0 : i32, i32
  }
  func.func @transform_4(%arg0: i32) -> (i32, i32) {
    %c0_i32 = arith.constant 0 : i32
    %c0_i32_0 = arith.constant 0 : i32
    return %arg0, %c0_i32 : i32, i32
  }
}

</mosaic_0001>

<sc_bundles>
// kernel: kernel.6.cloned.1.call-start
scs
__scs_entry_jumppad:
0x0: {  	(pc) =	sbr.rel $0x88, $3  }
0x1: {  	(tag) =	ssettag $0x0;
	lr =	simm.s32 $0x1  }
0x2: {  	[smem:$0x3F9A] =	sst lr;
	_ =	strace $0xD0000000  }
0x3: {  	_ = 	snop  }
0x4: {  	_ = 	snop  }
0x5: {  	_ = 	snop  }
0x6: {  	_ = 	snop  }
0x7: {  	_ = 	snop  }
__scs_overlays_trampoline_lowered:
0x8: {  	[smem:$0x3FA9] =	sst s0  }
0x9: {  	[smem:$0x3FAA] =	sst s1  }
0xa: {  	[smem:$0x3FAB] =	sst s2  }
0xb: {  	[smem:$0x3FAC] =	sst s3  }
0xc: {  	[smem:$0x3FAD] =	sst s4  }
0xd: {  	[smem:$0x3FAE] =	sst s5  }
0xe: {  	[smem:$0x3FAF] =	sst s6  }
0xf: {  	[smem:$0x3FB0] =	sst s7  }
0x10: {  	[smem:$0x3FB1] =	sst s8  }
0x11: {  	[smem:$0x3FB2] =	sst s9;
	s0 =	simm.s32 @!p0 $0x0  }
0x12: {  	s1 =	sld [smem:$0x3F98];
	s0 =	simm.s32 @p0 $0x1  }
0x13: {  	[smem:$0x3FB3] =	sst s0;
	s0 =	simm.s32 @!p1 $0x0  }
0x14: {  	s2 =	sld [smem:$0x3F97];
	s0 =	simm.s32 @p1 $0x1  }
0x15: {  	[smem:$0x3FB4] =	sst s0;
	s0 =	simm.s32 @!p2 $0x0  }
0x16: {  	s3 =	sld [smem:$0x3FDB];
	s0 =	simm.s32 @p2 $0x1  }
0x17: {  	s4 =	simm.s32 $0x1BF5;
	[smem:$0x3FB6] =	sst s0  }
0x18: {  	s0 =	sld [smem:$0x3F99];
	_ =	swait.ge [sflag:s4], $0x0  }
0x19: {  	s7 =	sld [smem:$0x3F9A]  }
0x1a: {  	s8 =	sadd.s32 $0xFFFFE003, lr  }
0x1b: {  	s9 =	sadd.s32 $0xFFFFFEF7, lr;
	s5 =	simm.s32 $0xFFFFFFFF;
	p2 =	slt.u32 s8, $0xFFFFF086  }
0x1c: {  	p1 =	slt.u32 s9, $0xF7A;
	s5 =	simm.s32 @!p2 $0x0  }
0x1d: {  	s5 =	simm.s32 @p1 $0x1;
	p0 =	seq.s32 s7, s2  }
0x1e: {  	s7 =	smul.u32 @!p0 $0xF7A, s2;
	p2 =	seq.s32 @!p0 s5, $0x0  }
0x1f: {  	s9 =	smul.u32 $0xF7A, s1;
	s8 =	simm.s32 @!p0 $0x1BF5;
	p2 =	por !p2, p0  }
0x20: {  	[sflag:s8] =	ssyncset.s32 @!p0 $0xFFFFF086;
	s6 =	sadd.s32 @!p0 s3, s7;
	s7 =	simm.s32 @!p0 $0x108  }
0x21: {  	s3 =	sadd.s32 s3, s9;
	s6 =	sadd.s32 @!p0 $0x88, s6;
	s7 =	simm.s32 @p2 $0x1082  }
0x22: {  	[simem:s7], [sflag:s8] =	dma.local @!p0 [hbm:s6], $0xF7A  }
0x23: {  	s9 =	sor.u32 $0xD0000000, s2;
	s6 =	simm.s32 $0x108;
	_ =	swait.ge @!p0 [sflag:s8], $0x0  }
0x24: {  	s3 =	sadd.s32 $0x88, s3;
	s6 =	simm.s32 @!p1 $0x1082;
	[sflag:s4] =	ssyncset.s32 $0xFFFFF086  }
0x25: {  	[simem:s6], [sflag:s4] =	dma.local [hbm:s3], $0xF7A  }
0x26: {  	[smem:$0x3F9A] =	sst s1;
	(tag) =	ssettag s2;
	_ =	strace s9  }
0x27: {  	s1 =	sld [smem:$0x3FAA]  }
0x28: {  	s2 =	sld [smem:$0x3FAB]  }
0x29: {  	s4 =	sld [smem:$0x3FAD]  }
0x2a: {  	p0 =	seq.s32 s5, $0x0;
	s5 =	sld [smem:$0x3FAE]  }
0x2b: {  	s6 =	sld [smem:$0x3FAF]  }
0x2c: {  	s7 =	sld [smem:$0x3FB0]  }
0x2d: {  	s3 =	simm.s32 $0x108;
	s8 =	sld [smem:$0x3FB1]  }
0x2e: {  	s3 =	simm.s32 @!p0 $0x1082;
	s9 =	sld [smem:$0x3FB2]  }
0x2f: {  	lr =	sadd.s32 s0, s3;
	s0 =	sld [smem:$0x3FA9]  }
0x30: {  	s3 =	sld [smem:$0x3FAC]  }
0x31: {  	[smem:$0x3FB5] =	sst s10  }
0x32: {  	s10 =	sld [smem:$0x3FB3];
	_ =	sdelay $0x3  }
0x33: {  	p0 =	seq.s32 s10, $0x1;
	s10 =	sld [smem:$0x3FB5];
	_ =	sdelay $0x3  }
0x34: {  	[smem:$0x3FB5] =	sst s10  }
0x35: {  	s10 =	sld [smem:$0x3FB4];
	_ =	sdelay $0x3  }
0x36: {  	p1 =	seq.s32 s10, $0x1;
	s10 =	sld [smem:$0x3FB5];
	_ =	sdelay $0x3  }
0x37: {  	[smem:$0x3FB5] =	sst s10  }
0x38: {  	s10 =	sld [smem:$0x3FB6]  }
0x39: {  	_ = 	snop;
	(pc) =	sbr.ind lr, $3  }
0x3a: {  	_ = 	snop  }
0x3b: {  	_ = 	snop  }
0x3c: {  	p2 =	seq.s32 s10, $0x1;
	s10 =	sld [smem:$0x3FB5]  }
0x3d: {  	_ =	shalt  }
0x3e: {  	_ =	shalt  }
0x3f: {  	_ =	shalt  }
0x40: {  	_ =	shalt  }
0x41: {  	_ =	shalt  }
0x42: {  	_ =	shalt  }
0x43: {  	_ =	shalt  }
0x44: {  	_ =	shalt  }
0x45: {  	_ =	shalt  }
0x46: {  	_ =	shalt  }
0x47: {  	_ =	shalt  }
0x48: {  	_ =	shalt  }
0x49: {  	_ =	shalt  }
0x4a: {  	_ =	shalt  }
0x4b: {  	_ =	shalt  }
0x4c: {  	_ =	shalt  }
0x4d: {  	_ =	shalt  }
0x4e: {  	_ =	shalt  }
0x4f: {  	_ =	shalt  }
0x50: {  	_ =	shalt  }
0x51: {  	_ =	shalt  }
0x52: {  	_ =	shalt  }
0x53: {  	_ =	shalt  }
0x54: {  	_ =	shalt  }
0x55: {  	_ =	shalt  }
0x56: {  	_ =	shalt  }
0x57: {  	_ =	shalt  }
0x58: {  	_ =	shalt  }
0x59: {  	_ =	shalt  }
0x5a: {  	_ =	shalt  }
0x5b: {  	_ =	shalt  }
0x5c: {  	_ =	shalt  }
0x5d: {  	_ =	shalt  }
0x5e: {  	_ =	shalt  }
0x5f: {  	_ =	shalt  }
0x60: {  	_ =	shalt  }
0x61: {  	_ =	shalt  }
0x62: {  	_ =	shalt  }
0x63: {  	_ =	shalt  }
0x64: {  	_ =	shalt  }
0x65: {  	_ =	shalt  }
0x66: {  	_ =	shalt  }
0x67: {  	_ =	shalt  }
0x68: {  	_ =	shalt  }
0x69: {  	_ =	shalt  }
0x6a: {  	_ =	shalt  }
0x6b: {  	_ =	shalt  }
0x6c: {  	_ =	shalt  }
0x6d: {  	_ =	shalt  }
0x6e: {  	_ =	shalt  }
0x6f: {  	_ =	shalt  }
0x70: {  	_ =	shalt  }
0x71: {  	_ =	shalt  }
0x72: {  	_ =	shalt  }
0x73: {  	_ =	shalt  }
0x74: {  	_ =	shalt  }
0x75: {  	_ =	shalt  }
0x76: {  	_ =	shalt  }
0x77: {  	_ =	shalt  }
0x78: {  	_ =	shalt  }
0x79: {  	_ =	shalt  }
0x7a: {  	_ =	shalt  }
0x7b: {  	_ =	shalt  }
0x7c: {  	_ =	shalt  }
0x7d: {  	_ =	shalt  }
0x7e: {  	_ =	shalt  }
0x7f: {  	_ =	shalt  }
0x80: {  	_ =	shalt  }
0x81: {  	_ =	shalt  }
0x82: {  	_ =	shalt  }
0x83: {  	_ =	shalt  }
0x84: {  	_ =	shalt  }
0x85: {  	_ =	shalt  }
0x86: {  	_ =	shalt  }
0x87: {  	_ =	shalt  }
.Lfunc_end0:
.L_simem_size_0:
called_computation.2_lowered:
.L_overlay_start_0:
0x88: {  	s2 =	sld [smem:$0x3FD9]  }
0x89: {  	s3 =	sld [smem:$0x3FFE];
	_ =	sdelay $0x1  }
0x8a: {  	s1 =	srdreg.scid  }
0x8b: {  	s0 =	sand.u32 $0x1, s1  }
0x8c: {  	s16 =	sshll.u32 s0, $0xA;
	s2 =	sadd.s32 s3, s2  }
0x8d: {  	s2 =	sadd.s32 s2, s16  }
0x8e: {  	[smem:$0x3FC1] =	sst s2  }
0x8f: {  	_ = 	snop  }
0x90: {  	(tm) =	ssettm $0x1  }
0x91: {  	s17 =	sld [smem:$0x3FFB];
	_ =	sdelay $0x3  }
0x92: {  	_ =	strace s17  }
0x93: {  	s2 =	sld [smem:$0x3FFC];
	_ =	sdelay $0x3  }
0x94: {  	_ =	strace s2  }
0x95: {  	s2 =	sld [smem:$0x3FFD];
	_ =	sdelay $0x3  }
0x96: {  	_ =	strace s2  }
0x97: {  	_ =	strace $0x8FFFFFFF  }
0x98: {  	s18 =	sld [smem:$0x3FDB];
	_ =	sdelay $0x1  }
0x99: {  	s19 =	simm.s32 $_scs_section_size  }
0x9a: {  	s4 =	simm.s32 $_size__tile_overlayer_lowered;
	s5 =	simm.s32 $_tile_overlayer_lowered  }
0x9b: {  	s22 =	simm.s32 $0x1BFF;
	s21 =	sshll.u32 s5, $0x1;
	s2 =	sadd.s32 s19, s18  }
0x9c: {  	s6 =	simm.s32 $0x0;
	s20 =	sshll.u32 s4, $0x1;
	s4 =	sadd.s32 s21, s2  }
0x9d: {  	[timem:s6], [sflag:s22] =	dma.local [hbm:s4], s20  }
0x9e: {  	_ =	swait.ge [sflag:s22], s20  }
0x9f: {  	s3 =	ssub.s32 $0x0, s20;
	[sflag:s22] =	ssyncset.done $0x0  }
0xa0: {  	[sflag:s22] =	ssyncadd.s32 s3;
	_ =	sdelay $0x1  }
0xa1: {  	s23 =	simm.s32 $0x1B8B  }
0xa2: {  	_ =	swait.ge [sflag:s23], $0x1  }
0xa3: {  	[sflag:s23] =	ssyncset.done $0x0  }
0xa4: {  	s25 =	simm.s32 $0x1B8E;
	s24 =	sld [smem:$0x3FFE];
	[sflag:s23] =	ssyncadd.s32 $0xFFFFFFFF  }
0xa5: {  	s26 =	simm.s32 $execute0_lowered;
	[smem:$0x3FD2] =	sst s25  }
0xa6: {  	s4 =	sshll.u32 s26, $0x1;
	_ =	strace $0x80000049;
	[dreg:$0x1] =	wrdreg $0xFFFFFFFF  }
0xa7: {  	s28 =	simm.s32 $_size_execute0_lowered;
	s2 =	sadd.s32 s2, s4;
	[dreg:$0x0] =	wrdreg $0x0  }
0xa8: {  	s4 =	sshll.u32 s28, $0x1;
	[dreg:$0x2] =	wrdreg s2  }
0xa9: {  	[dreg:$0x3] =	wrdreg s4  }
0xaa: {  	[dreg:$0x4] =	wrdreg $0xC0  }
0xab: {  	_ =	task [dreg:s6], $0x5FFFF  }
0xac: {  	[dreg:$0x1] =	wrdreg $0xFFFFFFFF  }
0xad: {  	[dreg:$0x0] =	wrdreg $0x60  }
0xae: {  	[dreg:$0x2] =	wrdreg s24  }
0xaf: {  	[dreg:$0x3] =	wrdreg $0x9  }
0xb0: {  	_ =	task.clear_ibuf [dreg:s6], $0x4FFFF;
	_ =	strace $0x90000049  }
0xb1: {  	s29 =	simm.s32 $0x9;
	_ =	strace $0x8000004B  }
0xb2: {  	_ =	swait.ge [sflag:s29], $0x1  }
0xb3: {  	[sflag:s29] =	ssyncadd.s32 $0xFFFFFFFF  }
0xb4: {  	_ =	strace $0x9000004B  }
0xb5: {  	_ =	sfence  }
0xb6: {  	s30 =	sld [smem:$0x0];
	_ =	sdelay $0x2  }
0xb7: {  	s31 =	sshll.u32 s1, $0xD;
	s1 =	sshrl.u32 s1, $0x2  }
0xb8: {  	s3 =	sand.u32 $0x4000, s31;
	s1 =	sadd.s32 s1, s30  }
0xb9: {  	s0 =	sor.u32 s3, s0;
	s1 =	sshll.u32 s1, $0x11  }
0xba: {  	s0 =	sor.u32 s1, s0  }
0xbb: {  	s0 =	sadd.s32 $0x8F2B, s0  }
0xbc: {  	[sflag:s0] =	ssyncadd.remote.s32 $0x1  }
0xbd: {  	_ =	sfence.sel $0xFFFF  }
0xbe: {  	[dreg:$0x0] =	wrdreg $0xFFFFFFFF;
	(pc) =	sbr.abs _section_cstart, $3  }
0xbf: {  	[dreg:$0x1] =	wrdreg $0xFFFFFFFF  }
0xc0: {  	_ =	task.clear_ibuf [dreg:s6], $0x2FFFF;
	_ =	strace $0x9FFFFFFF  }
0xc1: {  	(tm) =	ssettm $0x7FFFFFFF  }
tec
execute0_lowered:
.L_overlay_start_1:
0x0: {  	(tag) =	ssettag $0x1  }
0x1: {  	s5 =	rddreg [dreg:$0x0]  }
0x2: {  	s0 =	rddreg [dreg:$0x1]  }
0x3: {  	s2 =	simm.s32 $0x0;
	s3 =	srdreg.scid;
	s1 =	stileid.u32  }
0x4: {  	s10 =	simm.s32 $0x400;
	s11 =	simm.s32 $0x1;
	s12 =	simm.s32 $0x0  }
0x5: {  	[smem:$0x7FF] =	sst s2;
	s6 =	sand.u32 $0x1, s3;
	s3 =	sadd.s32 $0x1E1A00, s5  }
0x6: {  	s8 =	sshll.u32 s1, $0x1;
	s4 =	sadd.s32 $0x3000, s5;
	s7 =	ssub.s32 $0x2, s6  }
0x7: {  	s5 =	sadd.s32 $0x1FAA00, s5;
	_ =	strace $0x8000004A;
	s9 =	sshrl.u32 s7, $0x1  }
0x8: {  	s6 =	sor.u32 s6, s8;
	s8 =	simm.s32 $0x2;
	s7 =	ssub.s32 s7, s9  }
0x9: {  	s6 =	smul.u32 $0x6400, s6;
	s9 =	simm.s32 $0x200;
	s7 =	smax.u32 s7, $0x1  }
.LBB2_1:
0xa: {  	s13 =	simm.s32 $0x0  }
.LBB2_2:
0xb: {  	s14 =	sshll.u32 s13, $0x9  }
0xc: {  	s14 =	sadd.s32 s6, s14  }
0xd: {  	s15 =	sshrl.u32 s14, $0x3  }
0xe: {  	s16 =	simm.s32 $0x0;
	s15 =	sadd.s32 s3, s15  }
0xf: {  	[tilespmem:s16], [sflag:$0x2] =	stream.linear.gather [hbm4b:s15+s16], $0x200, $0x38;
	[tilespmem:$0x2400] =	vst v63  }
0x10: {  	_ =	swait.ge [sflag:s8], $0x200  }
0x11: {  	[sflag:s8] =	ssyncset.done $0x0  }
0x12: {  	s15 =	simm.s32 $0x0;
	[sflag:s8] =	ssyncadd.s32 $0xFFFFFE00  }
0x13: {  	s16 =	simm.s32 $0x40;
	v0 =	vld [tilespmem:s15+$0x0]  }
.LBB2_3:
0x14: {  	_ =	sdelay $0x1  }
0x15: {  	p0 =	sne.s32 s16, $0x7C0  }
.Ltmp0:
0x16: {  	_ = 	snop;
	(pc) =	sbr.rel @p0 .LBB2_3-.Ltmp0, $4  }
0x17: {  	vm0 =	vgt.s32 v0, $0x4E20  }
0x18: {  	v1 =	vnsel vm0, $0x4E20, v0  }
0x19: {  	s17 =	sshra.s32 s16, $0x2;
	v1 =	vadd.s32 $0xFFFFB1E0, v1  }
0x1a: {  	s16 =	sadd.s32 $0x40, s16;
	v0 =	vld [tilespmem:s17+$0x0];
	[tilespmem:s15+$0x200] =	vst v1;
	s15 =	smov.u32 s17  }
0x1b: {  	_ =	sdelay $0x3  }
0x1c: {  	vm0 =	vgt.s32 v0, $0x4E20  }
0x1d: {  	v0 =	vnsel vm0, $0x4E20, v0  }
0x1e: {  	v0 =	vadd.s32 $0xFFFFB1E0, v0  }
0x1f: {  	[tilespmem:s15+$0x200] =	vst v0  }
0x20: {  	[tilespmem:s10], [sflag:$0x1] =	stream.indirect.gather [hbm4b:s4+s9], $0x10, s9, s9, $0xb8;
	[tilespmem:$0x2400] =	vst v63  }
0x21: {  	s13 =	sadd.s32 $0x1, s13;
	_ =	swait.ge [sflag:s11], $0x2000  }
0x22: {  	s14 =	sshll.u32 s14, $0x1;
	p0 =	sne.s32 s13, $0x32;
	[sflag:s11] =	ssyncset.done $0x0  }
.Ltmp1:
0x23: {  	s14 =	sadd.s32 s5, s14;
	[sflag:s11] =	ssyncadd.s32 $0xFFFFE000;
	(pc) =	sbr.rel @p0 .LBB2_2-.Ltmp1, $4  }
0x24: {  	[hbm4b:s14+s2] =	stream.linear.scatter [tilespmem:s10], [sflag:$0x2], $0x2000, $0x38;
	[tilespmem:$0x2400] =	vst v63  }
0x25: {  	_ =	swait.ge [sflag:s8], $0x2000  }
0x26: {  	[sflag:s8] =	ssyncset.done $0x0  }
0x27: {  	[sflag:s8] =	ssyncadd.s32 $0xFFFFE000  }
0x28: {  	s12 =	sadd.s32 $0x1, s12  }
0x29: {  	p0 =	sne.s32 s12, s7  }
.Ltmp2:
0x2a: {  	_ = 	snop;
	(pc) =	sbr.rel @p0 .LBB2_1-.Ltmp2, $1  }
0x2b: {  	_ =	sdelay $0x3  }
0x2c: {  	_ =	sfence.sel $0x180000  }
0x2d: {  	[bflag:$0x0] =	sbarrier.arrive $0xFFFF  }
0x2e: {  	p0 =	sne.s32 s1, $0x0;
	_ =	strace $0x9000004A  }
0x2f: {  	s0 =	sadd.s32 @!p0 $0x100000, s0;
	[bflag:$0x2] =	sbarrier.arrive $0xFFFF  }
0x30: {  	[sflag:s0] =	ssyncadd.tile.s32 @!p0 $0x1;
	_ =	shalt  }
.Lfunc_end2:
_tile_overlayer_lowered:
.L_overlay_start_2:
0x31: {  	(tag) =	ssettag $0x2  }
0x32: {  	s0 =	rddreg [dreg:$0x0];
	s2 =	stileid.u32  }
0x33: {  	s1 =	rddreg [dreg:$0x1];
	p0 =	sne.s32 s2, $0x0  }
0x34: {  	s3 =	rddreg [dreg:$0x2];
	[bflag:$0x3] =	sbarrier.arrive $0xFFFF;
	s2 =	simm.s32 @!p0 $0x1C02  }
0x35: {  	[timem:s3], [sflag:s2] =	dma.local @!p0 [hbm:s0], s1  }
0x36: {  	s0 =	simm.s32 @!p0 $0x2  }
0x37: {  	_ =	swait.ge @!p0 [sflag:s0], s1  }
0x38: {  	s1 =	ssub.s32 @!p0 $0x0, s1;
	[sflag:s0] =	ssyncset.done @!p0 $0x0  }
0x39: {  	[sflag:s0] =	ssyncadd.s32 @!p0 s1  }
0x3a: {  	[bflag:$0x3] =	sbarrier.arrive $0xFFFF  }
0x3b: {  	_ =	shalt  }

// kernel: kernel.9.cloned.1.call-start
scs
__scs_entry_jumppad:
0x0: {  	(pc) =	sbr.rel $0x88, $3  }
0x1: {  	(tag) =	ssettag $0x0;
	lr =	simm.s32 $0x1  }
0x2: {  	[smem:$0x3F9A] =	sst lr;
	_ =	strace $0xD0000000  }
0x3: {  	_ = 	snop  }
0x4: {  	_ = 	snop  }
0x5: {  	_ = 	snop  }
0x6: {  	_ = 	snop  }
0x7: {  	_ = 	snop  }
__scs_overlays_trampoline_lowered:
0x8: {  	[smem:$0x3FA9] =	sst s0  }
0x9: {  	[smem:$0x3FAA] =	sst s1  }
0xa: {  	[smem:$0x3FAB] =	sst s2  }
0xb: {  	[smem:$0x3FAC] =	sst s3  }
0xc: {  	[smem:$0x3FAD] =	sst s4  }
0xd: {  	[smem:$0x3FAE] =	sst s5  }
0xe: {  	[smem:$0x3FAF] =	sst s6  }
0xf: {  	[smem:$0x3FB0] =	sst s7  }
0x10: {  	[smem:$0x3FB1] =	sst s8  }
0x11: {  	[smem:$0x3FB2] =	sst s9;
	s0 =	simm.s32 @!p0 $0x0  }
0x12: {  	s1 =	sld [smem:$0x3F98];
	s0 =	simm.s32 @p0 $0x1  }
0x13: {  	[smem:$0x3FB3] =	sst s0;
	s0 =	simm.s32 @!p1 $0x0  }
0x14: {  	s2 =	sld [smem:$0x3F97];
	s0 =	simm.s32 @p1 $0x1  }
0x15: {  	[smem:$0x3FB4] =	sst s0;
	s0 =	simm.s32 @!p2 $0x0  }
0x16: {  	s3 =	sld [smem:$0x3FDB];
	s0 =	simm.s32 @p2 $0x1  }
0x17: {  	s4 =	simm.s32 $0x1BF5;
	[smem:$0x3FB6] =	sst s0  }
0x18: {  	s0 =	sld [smem:$0x3F99];
	_ =	swait.ge [sflag:s4], $0x0  }
0x19: {  	s7 =	sld [smem:$0x3F9A]  }
0x1a: {  	s8 =	sadd.s32 $0xFFFFE003, lr  }
0x1b: {  	s9 =	sadd.s32 $0xFFFFFEF7, lr;
	s5 =	simm.s32 $0xFFFFFFFF;
	p2 =	slt.u32 s8, $0xFFFFF086  }
0x1c: {  	p1 =	slt.u32 s9, $0xF7A;
	s5 =	simm.s32 @!p2 $0x0  }
0x1d: {  	s5 =	simm.s32 @p1 $0x1;
	p0 =	seq.s32 s7, s2  }
0x1e: {  	s7 =	smul.u32 @!p0 $0xF7A, s2;
	p2 =	seq.s32 @!p0 s5, $0x0  }
0x1f: {  	s9 =	smul.u32 $0xF7A, s1;
	s8 =	simm.s32 @!p0 $0x1BF5;
	p2 =	por !p2, p0  }
0x20: {  	[sflag:s8] =	ssyncset.s32 @!p0 $0xFFFFF086;
	s6 =	sadd.s32 @!p0 s3, s7;
	s7 =	simm.s32 @!p0 $0x108  }
0x21: {  	s3 =	sadd.s32 s3, s9;
	s6 =	sadd.s32 @!p0 $0x88, s6;
	s7 =	simm.s32 @p2 $0x1082  }
0x22: {  	[simem:s7], [sflag:s8] =	dma.local @!p0 [hbm:s6], $0xF7A  }
0x23: {  	s9 =	sor.u32 $0xD0000000, s2;
	s6 =	simm.s32 $0x108;
	_ =	swait.ge @!p0 [sflag:s8], $0x0  }
0x24: {  	s3 =	sadd.s32 $0x88, s3;
	s6 =	simm.s32 @!p1 $0x1082;
	[sflag:s4] =	ssyncset.s32 $0xFFFFF086  }
0x25: {  	[simem:s6], [sflag:s4] =	dma.local [hbm:s3], $0xF7A  }
0x26: {  	[smem:$0x3F9A] =	sst s1;
	(tag) =	ssettag s2;
	_ =	strace s9  }
0x27: {  	s1 =	sld [smem:$0x3FAA]  }
0x28: {  	s2 =	sld [smem:$0x3FAB]  }
0x29: {  	s4 =	sld [smem:$0x3FAD]  }
0x2a: {  	p0 =	seq.s32 s5, $0x0;
	s5 =	sld [smem:$0x3FAE]  }
0x2b: {  	s6 =	sld [smem:$0x3FAF]  }
0x2c: {  	s7 =	sld [smem:$0x3FB0]  }
0x2d: {  	s3 =	simm.s32 $0x108;
	s8 =	sld [smem:$0x3FB1]  }
0x2e: {  	s3 =	simm.s32 @!p0 $0x1082;
	s9 =	sld [smem:$0x3FB2]  }
0x2f: {  	lr =	sadd.s32 s0, s3;
	s0 =	sld [smem:$0x3FA9]  }
0x30: {  	s3 =	sld [smem:$0x3FAC]  }
0x31: {  	[smem:$0x3FB5] =	sst s10  }
0x32: {  	s10 =	sld [smem:$0x3FB3];
	_ =	sdelay $0x3  }
0x33: {  	p0 =	seq.s32 s10, $0x1;
	s10 =	sld [smem:$0x3FB5];
	_ =	sdelay $0x3  }
0x34: {  	[smem:$0x3FB5] =	sst s10  }
0x35: {  	s10 =	sld [smem:$0x3FB4];
	_ =	sdelay $0x3  }
0x36: {  	p1 =	seq.s32 s10, $0x1;
	s10 =	sld [smem:$0x3FB5];
	_ =	sdelay $0x3  }
0x37: {  	[smem:$0x3FB5] =	sst s10  }
0x38: {  	s10 =	sld [smem:$0x3FB6]  }
0x39: {  	_ = 	snop;
	(pc) =	sbr.ind lr, $3  }
0x3a: {  	_ = 	snop  }
0x3b: {  	_ = 	snop  }
0x3c: {  	p2 =	seq.s32 s10, $0x1;
	s10 =	sld [smem:$0x3FB5]  }
0x3d: {  	_ =	shalt  }
0x3e: {  	_ =	shalt  }
0x3f: {  	_ =	shalt  }
0x40: {  	_ =	shalt  }
0x41: {  	_ =	shalt  }
0x42: {  	_ =	shalt  }
0x43: {  	_ =	shalt  }
0x44: {  	_ =	shalt  }
0x45: {  	_ =	shalt  }
0x46: {  	_ =	shalt  }
0x47: {  	_ =	shalt  }
0x48: {  	_ =	shalt  }
0x49: {  	_ =	shalt  }
0x4a: {  	_ =	shalt  }
0x4b: {  	_ =	shalt  }
0x4c: {  	_ =	shalt  }
0x4d: {  	_ =	shalt  }
0x4e: {  	_ =	shalt  }
0x4f: {  	_ =	shalt  }
0x50: {  	_ =	shalt  }
0x51: {  	_ =	shalt  }
0x52: {  	_ =	shalt  }
0x53: {  	_ =	shalt  }
0x54: {  	_ =	shalt  }
0x55: {  	_ =	shalt  }
0x56: {  	_ =	shalt  }
0x57: {  	_ =	shalt  }
0x58: {  	_ =	shalt  }
0x59: {  	_ =	shalt  }
0x5a: {  	_ =	shalt  }
0x5b: {  	_ =	shalt  }
0x5c: {  	_ =	shalt  }
0x5d: {  	_ =	shalt  }
0x5e: {  	_ =	shalt  }
0x5f: {  	_ =	shalt  }
0x60: {  	_ =	shalt  }
0x61: {  	_ =	shalt  }
0x62: {  	_ =	shalt  }
0x63: {  	_ =	shalt  }
0x64: {  	_ =	shalt  }
0x65: {  	_ =	shalt  }
0x66: {  	_ =	shalt  }
0x67: {  	_ =	shalt  }
0x68: {  	_ =	shalt  }
0x69: {  	_ =	shalt  }
0x6a: {  	_ =	shalt  }
0x6b: {  	_ =	shalt  }
0x6c: {  	_ =	shalt  }
0x6d: {  	_ =	shalt  }
0x6e: {  	_ =	shalt  }
0x6f: {  	_ =	shalt  }
0x70: {  	_ =	shalt  }
0x71: {  	_ =	shalt  }
0x72: {  	_ =	shalt  }
0x73: {  	_ =	shalt  }
0x74: {  	_ =	shalt  }
0x75: {  	_ =	shalt  }
0x76: {  	_ =	shalt  }
0x77: {  	_ =	shalt  }
0x78: {  	_ =	shalt  }
0x79: {  	_ =	shalt  }
0x7a: {  	_ =	shalt  }
0x7b: {  	_ =	shalt  }
0x7c: {  	_ =	shalt  }
0x7d: {  	_ =	shalt  }
0x7e: {  	_ =	shalt  }
0x7f: {  	_ =	shalt  }
0x80: {  	_ =	shalt  }
0x81: {  	_ =	shalt  }
0x82: {  	_ =	shalt  }
0x83: {  	_ =	shalt  }
0x84: {  	_ =	shalt  }
0x85: {  	_ =	shalt  }
0x86: {  	_ =	shalt  }
0x87: {  	_ =	shalt  }
.Lfunc_end0:
.L_simem_size_0:
called_computation.3_lowered:
.L_overlay_start_0:
0x88: {  	s2 =	sld [smem:$0x3FD9]  }
0x89: {  	s3 =	sld [smem:$0x3FFE];
	_ =	sdelay $0x1  }
0x8a: {  	s1 =	srdreg.scid  }
0x8b: {  	s0 =	sand.u32 $0x1, s1  }
0x8c: {  	s17 =	sshll.u32 s0, $0xA;
	s2 =	sadd.s32 s3, s2  }
0x8d: {  	s2 =	sadd.s32 s2, s17  }
0x8e: {  	[smem:$0x3FC1] =	sst s2  }
0x8f: {  	_ = 	snop  }
0x90: {  	s2 =	sld [smem:$0x3FD0];
	(tm) =	ssettm $0x1  }
0x91: {  	s18 =	sld [smem:$0x3FFB];
	_ =	sdelay $0x3  }
0x92: {  	_ =	strace s18  }
0x93: {  	s3 =	sld [smem:$0x3FFC];
	_ =	sdelay $0x3  }
0x94: {  	_ =	strace s3  }
0x95: {  	s3 =	sld [smem:$0x3FFD];
	_ =	sdelay $0x3  }
0x96: {  	_ =	strace s3  }
0x97: {  	_ =	strace $0x8FFFFFFF  }
0x98: {  	s19 =	sld [smem:$0x3FDB];
	_ =	sdelay $0x1  }
0x99: {  	s4 =	simm.s32 $_scs_section_size  }
0x9a: {  	s5 =	simm.s32 $_size__tile_overlayer_lowered;
	s6 =	simm.s32 $_tile_overlayer_lowered  }
0x9b: {  	s22 =	simm.s32 $0x1BFF;
	s21 =	sshll.u32 s6, $0x1;
	s3 =	sadd.s32 s4, s19  }
0x9c: {  	s7 =	simm.s32 $0x0;
	s20 =	sshll.u32 s5, $0x1;
	s5 =	sadd.s32 s21, s3  }
0x9d: {  	[timem:s7], [sflag:s22] =	dma.local [hbm:s5], s20  }
0x9e: {  	_ =	swait.ge [sflag:s22], s20  }
0x9f: {  	s4 =	ssub.s32 $0x0, s20;
	[sflag:s22] =	ssyncset.done $0x0  }
0xa0: {  	[sflag:s22] =	ssyncadd.s32 s4;
	_ =	sdelay $0x1  }
0xa1: {  	s23 =	simm.s32 $0x1B8B  }
0xa2: {  	_ =	swait.ge [sflag:s23], $0x1  }
0xa3: {  	[sflag:s23] =	ssyncset.done $0x0  }
0xa4: {  	s25 =	simm.s32 $0x1B8E;
	s24 =	sld [smem:$0x3FFE];
	[sflag:s23] =	ssyncadd.s32 $0xFFFFFFFF  }
0xa5: {  	s26 =	simm.s32 $execute0_lowered;
	[smem:$0x3FD2] =	sst s25  }
0xa6: {  	s5 =	sshll.u32 s26, $0x1;
	_ =	strace $0x8000004C;
	[dreg:$0x1] =	wrdreg $0xFFFFFFFF  }
0xa7: {  	s28 =	simm.s32 $_size_execute0_lowered;
	s3 =	sadd.s32 s3, s5;
	[dreg:$0x0] =	wrdreg $0x0  }
0xa8: {  	s5 =	sshll.u32 s28, $0x1;
	[dreg:$0x2] =	wrdreg s3  }
0xa9: {  	[dreg:$0x3] =	wrdreg s5  }
0xaa: {  	[dreg:$0x4] =	wrdreg $0xC0  }
0xab: {  	_ =	task [dreg:s7], $0x5FFFF  }
0xac: {  	[dreg:$0x1] =	wrdreg $0xFFFFFFFF  }
0xad: {  	[dreg:$0x0] =	wrdreg $0x60  }
0xae: {  	[dreg:$0x2] =	wrdreg s24  }
0xaf: {  	[dreg:$0x3] =	wrdreg s2  }
0xb0: {  	[dreg:$0x4] =	wrdreg $0x9  }
0xb1: {  	_ =	task.clear_ibuf [dreg:s7], $0x5FFFF;
	_ =	strace $0x9000004C  }
0xb2: {  	s29 =	simm.s32 $0x9;
	_ =	strace $0x8000004E  }
0xb3: {  	_ =	swait.ge [sflag:s29], $0x1  }
0xb4: {  	[sflag:s29] =	ssyncadd.s32 $0xFFFFFFFF  }
0xb5: {  	_ =	strace $0x9000004E  }
0xb6: {  	_ =	sfence  }
0xb7: {  	s30 =	sld [smem:$0x0];
	_ =	sdelay $0x2  }
0xb8: {  	s31 =	sshll.u32 s1, $0xD;
	s1 =	sshrl.u32 s1, $0x2  }
0xb9: {  	s3 =	sand.u32 $0x4000, s31;
	s1 =	sadd.s32 s1, s30  }
0xba: {  	s0 =	sor.u32 s3, s0;
	s1 =	sshll.u32 s1, $0x11  }
0xbb: {  	s0 =	sor.u32 s1, s0  }
0xbc: {  	s0 =	sadd.s32 $0x8F2B, s0  }
0xbd: {  	[sflag:s0] =	ssyncadd.remote.s32 $0x1  }
0xbe: {  	_ =	sfence.sel $0xFFFF  }
0xbf: {  	[dreg:$0x0] =	wrdreg $0xFFFFFFFF;
	(pc) =	sbr.abs _section_cstart, $3  }
0xc0: {  	[dreg:$0x1] =	wrdreg $0xFFFFFFFF  }
0xc1: {  	_ =	task.clear_ibuf [dreg:s7], $0x2FFFF;
	_ =	strace $0x9FFFFFFF  }
0xc2: {  	(tm) =	ssettm $0x7FFFFFFF  }
0xc3: {  	_ =	shalt  }
tec
execute0_lowered:
.L_overlay_start_1:
0x0: {  	(tag) =	ssettag $0x1  }
0x1: {  	s5 =	rddreg [dreg:$0x0]  }
0x2: {  	s1 =	rddreg [dreg:$0x1]  }
0x3: {  	s0 =	rddreg [dreg:$0x2];
	s3 =	simm.s32 $0x0  }
0x4: {  	s4 =	srdreg.scid;
	s2 =	stileid.u32;
	s12 =	simm.s32 $0x1  }
0x5: {  	s13 =	simm.s32 $0x80;
	s14 =	simm.s32 $0xCB20;
	[smem:$0x7FF] =	sst s3  }
0x6: {  	s6 =	sand.u32 $0x1, s4;
	s4 =	sadd.s32 $0x1E1A00, s5;
	s8 =	smul.u32 $0xC800, s2  }
.Ltmp0:
0x7: {  	s10 =	sshll.u32 s2, $0x1;
	s5 =	sadd.s32 $0x38AA00, s5;
	(pc) =	sbr.rel .LBB2_1-.Ltmp0, $4  }
0x8: {  	_ =	strace $0x8000004D;
	s7 =	ssub.s32 $0x2, s6;
	s11 =	smul.u32 $0x6400, s6  }
0x9: {  	s6 =	sor.u32 s6, s10;
	s10 =	simm.s32 $0x200;
	s9 =	sshrl.u32 s7, $0x1  }
0xa: {  	s6 =	smul.u32 $0x6400, s6;
	s7 =	ssub.s32 s7, s9;
	s8 =	sadd.s32 s11, s8  }
0xb: {  	v0 =	vimm.s32 $0x0;
	v1 =	vlaneseq.u32;
	vm0 =	vmmov $0x1;
	s9 =	simm.s32 $0x2;
	s11 =	simm.s32 $0x6690;
	s7 =	smax.u32 s7, $0x1  }
.LBB2_15:
0xc: {  	[sflag:s12] =	ssyncadd.s32 $0xFFFFE000  }
.LBB2_16:
0xd: {  	s3 =	sadd.s32 $0x1, s3  }
0xe: {  	p0 =	sne.s32 s3, s7  }
.Ltmp1:
0xf: {  	_ = 	snop;
	(pc) =	sbr.rel @!p0 .LBB2_17-.Ltmp1, $1  }
0x10: {  	_ =	sdelay $0x3  }
.LBB2_1:
0x11: {  	s16 =	smov.u32 s8;
	s15 =	simm.s32 $0x0;
	s17 =	simm.s32 $0x0  }
.LBB2_2:
0x12: {  	s18 =	sshll.u32 s17, $0x9  }
0x13: {  	s18 =	sadd.s32 s6, s18  }
0x14: {  	s18 =	sshrl.u32 s18, $0x3  }
0x15: {  	s19 =	simm.s32 $0x0;
	s18 =	sadd.s32 s4, s18  }
0x16: {  	[tilespmem:s19], [sflag:$0x2] =	stream.linear.gather [hbm4b:s18+s19], $0x200, $0x38;
	[tilespmem:$0xEB20] =	vst v63  }
0x17: {  	_ =	swait.ge [sflag:s9], $0x200  }
0x18: {  	[sflag:s9] =	ssyncset.done $0x0  }
0x19: {  	s31 =	simm.s32 $0x0;
	[sflag:s9] =	ssyncadd.s32 $0xFFFFFE00  }
0x1a: {  	v2 =	vld [tilespmem:s31+$0x0];
	_ =	sdelay $0x4  }
0x1b: {  	vm1 =	vlt.s32 v2, $0x4E20  }
0x1c: {  	v3 =	vsel vm1, $0x1, v0  }
0x1d: {  	(xrf0) =	vadd.scan.msk.s32 $0xffff, v3;
	_ =	sdelay $0x4  }
0x1e: {  	v3 =	vsel vm1, $0xFFFFFFFF, v0  }
0x1f: {  	v3 =	vadd.s32 s15, v3;
	v4, _, _ =	vpop (xrf0)  }
0x20: {  	v3 =	vadd.s32 v4, v3;
	(v2sf) =	vpush v4, $0xF  }
0x21: {  	v3 =	vnsel vm1, $0x648F, v3;
	_ =	sdelay $0x3  }
0x22: {  	v5 =	vor.u32 s16, v1  }
0x23: {  	[tilespmem:v3+s10+$0x0] =	vst.idx.msk $0xffff, v5  }
0x24: {  	s20 =	simm.s32 $0x10;
	s19 =	simm.s32 $0x80;
	s18 =	smov.u32 s16;
	[tilespmem:v3+s11+$0x0] =	vst.idx.msk $0xffff, v2  }
.LBB2_3:
0x25: {  	p0 =	sne.s32 s19, $0x7C0;
	v2 =	vld [tilespmem:s20+$0x0];
	_ =	sdelay $0x4  }
0x26: {  	vm1 =	vlt.s32 v2, $0x4E20  }
0x27: {  	v3 =	vsel vm1, $0xFFFFFFFF, v0;
	v4 =	vsel vm1, $0x1, v0  }
0x28: {  	(xrf0) =	vadd.scan.msk.s32 $0xffff, v4;
	s20 =	spop (v2sf)  }
0x29: {  	s15 =	sadd.s32 s15, s20  }
0x2a: {  	v3 =	vadd.s32 s15, v3;
	_ =	sdelay $0x3  }
0x2b: {  	v4, _, _ =	vpop (xrf0)  }
0x2c: {  	v3 =	vadd.s32 v4, v3;
	(v2sf) =	vpush v4, $0xF  }
0x2d: {  	v3 =	vnsel vm1, $0x648F, v3;
	_ =	sdelay $0x1  }
.Ltmp2:
0x2e: {  	(pc) =	sbr.rel @p0 .LBB2_3-.Ltmp2, $4  }
0x2f: {  	s18 =	sadd.s32 $0x10, s18  }
0x30: {  	v4 =	vor.u32 s18, v1  }
0x31: {  	[tilespmem:v3+s10+$0x0] =	vst.idx.msk $0xffff, v4  }
0x32: {  	s20 =	sshra.s32 s19, $0x2;
	s19 =	sadd.s32 $0x40, s19;
	[tilespmem:v3+s11+$0x0] =	vst.idx.msk $0xffff, v2  }
0x33: {  	v2 =	vld [tilespmem:s20+$0x0];
	_ =	sdelay $0x4  }
0x34: {  	vm1 =	vlt.s32 v2, $0x4E20  }
0x35: {  	v3 =	vsel vm1, $0x1, v0  }
0x36: {  	(xrf0) =	vadd.scan.msk.s32 $0xffff, v3;
	_ =	sdelay $0x5  }
0x37: {  	v3, _, _ =	vpop (xrf0)  }
0x38: {  	(v2sf) =	vpush v3, $0xF;
	_ =	sdelay $0x5  }
0x39: {  	s19 =	spop (v2sf)  }
0x3a: {  	v4 =	vsel vm1, $0xFFFFFFFF, v0;
	s15 =	sadd.s32 s15, s19  }
0x3b: {  	v4 =	vadd.s32 s15, v4  }
0x3c: {  	v3 =	vadd.s32 v3, v4  }
0x3d: {  	s17 =	sadd.s32 $0x1, s17;
	v3 =	vnsel vm1, $0x648F, v3  }
0x3e: {  	p0 =	sne.s32 s17, $0x32  }
.Ltmp3:
0x3f: {  	_ = 	snop;
	(pc) =	sbr.rel @p0 .LBB2_2-.Ltmp3, $4  }
0x40: {  	s18 =	sadd.s32 $0x10, s18  }
0x41: {  	v63 =	vor.u32 s18, v1  }
0x42: {  	[tilespmem:v3+s10+$0x0] =	vst.idx.msk $0xffff, v63;
	s31 =	spop (v2sf)  }
0x43: {  	s16 =	sadd.s32 $0x200, s16;
	[tilespmem:v3+s11+$0x0] =	vst.idx.msk $0xffff, v2;
	s15 =	sadd.s32 s15, s31  }
0x44: {  	s16 =	sadd.s32 $0x7F, s15  }
0x45: {  	s17 =	sand.u32 $0x7F, s16  }
0x46: {  	s18 =	sshra.s32 s16, $0x1F;
	p0 =	slt.s32 s16, $0x1;
	p1 =	sne.s32 s17, $0x0  }
0x47: {  	s31 =	sshrl.u32 s18, $0x19;
	p0 =	por !p0, !p1  }
0x48: {  	s17 =	simm.s32 $0x1;
	s16 =	sadd.s32 s31, s16;
	p0 =	por !p0, !p0  }
0x49: {  	s16 =	sshra.s32 s16, $0x7;
	s17 =	simm.s32 @!p0 $0x0  }
0x4a: {  	p0 =	slt.s32 s15, $0x1;
	s16 =	ssub.s32 s16, s17  }
0x4b: {  	s17 =	sshll.u32 @!p0 s16, $0x7  }
0x4c: {  	s18 =	sxor.u32 @!p0 $0xFFFFFFFF, s17  }
0x4d: {  	s19 =	sshra.s32 @!p0 s17, $0x1F;
	s18 =	sshrl.u32 @!p0 s18, $0x1F  }
0x4e: {  	s20 =	sshrl.u32 @!p0 s19, $0x1C;
	s18 =	sadd.s32 @!p0 s18, s19  }
0x4f: {  	s17 =	sor.u32 @!p0 s17, s20;
	p1 =	sne.s32 @!p0 s18, $0x1  }
0x50: {  	s17 =	sadd.s32 @!p0 $0xF, s17;
	s18 =	simm.s32 @!p0 $0x1;
	p1 =	por !p1, p0  }
0x51: {  	s17 =	sshra.s32 @!p0 s17, $0x4;
	s18 =	simm.s32 @p1 $0x0  }
0x52: {  	s19 =	sshrl.u32 @!p0 s15, $0x4;
	s18 =	ssub.s32 @!p0 s17, s18  }
0x53: {  	p2 =	sge.s32 @!p0 s19, s18  }
0x54: {  	p2 =	por p0, p2  }
.Ltmp4:
0x55: {  	_ = 	snop;
	(pc) =	sbr.rel @p2 .LBB2_12-.Ltmp4, $1  }
0x56: {  	_ =	sdelay $0x3  }
0x57: {  	v2 =	vld [tilespmem:$0x6690]  }
0x58: {  	v3 =	vld [tilespmem:$0x200];
	_ =	sdelay $0x3  }
0x59: {  	s18 =	simm.s32 @!p0 $0xFFFFFFFF;
	v2 =	vnsel vm0, $0x0, v2  }
0x5a: {  	s18 =	simm.s32 @p1 $0x0;
	(xrf0) =	vadd.scan.msk.s32 $0xffff, v2;
	v2 =	vnsel vm0, $0x0, v3  }
0x5b: {  	s17 =	sadd.s32 s18, s17;
	(xrf0) =	vadd.scan.msk.s32 $0xffff, v2  }
0x5c: {  	s31 =	ssub.s32 s17, s19  }
0x5d: {  	p1 =	sne.s32 s31, $0x1  }
.Ltmp5:
0x5e: {  	s20 =	sshll.u32 s19, $0x6;
	(pc) =	sbr.rel @!p1 .LBB2_7-.Ltmp5, $4  }
0x5f: {  	s30 =	sshra.s32 s20, $0x2  }
0x60: {  	s18 =	sadd.s32 $0x6690, s30;
	v2, _, _ =	vpop (xrf0)  }
0x61: {  	s17 =	sadd.s32 $0x200, s30;
	v6 =	vld [tilespmem:s18+$0x0];
	v4, _, _ =	vpop (xrf0)  }
0x62: {  	p0 =	por $0x0, $0x0;
	v5 =	vld [tilespmem:s17+$0x0];
	v3 =	vmov s15;
	s15 =	sshll.u32 s19, $0x4;
	s19 =	sadd.s32 $0xFFFFFFFF, s31;
	v2 =	vbroadcast v2, $0xF;
	v4 =	vbroadcast v4, $0xF  }
0x63: {  	_ =	sdelay $0x1  }
0x64: {  	v7 =	vor.u32 s15, v1  }
0x65: {  	p1 =	sne.s32 s19, $0x1;
	vm1 =	vlt.s32 v7, v3  }
.Ltmp6:
0x66: {  	v5 =	vsel vm1, v5, v4;
	(pc) =	sbr.rel @!p1 .LBB2_9-.Ltmp6, $4  }
0x67: {  	[tilespmem:s17+$0x0] =	vst v5;
	v5 =	vsel vm1, v6, v2  }
0x68: {  	s17 =	sadd.s32 $0x10, s17;
	[tilespmem:s18+$0x0] =	vst v5  }
0x69: {  	s18 =	sadd.s32 $0x10, s18;
	v5 =	vld [tilespmem:s17+$0x0]  }
0x6a: {  	s20 =	sadd.s32 $0xFFFFFFFF, s19;
	p0 =	por $0x1, $0x1;
	s19 =	smov.u32 s15;
	v6 =	vld [tilespmem:s18+$0x0]  }
.LBB2_10:
0x6b: {  	p1 =	sne.s32 s20, $0x1;
	s19 =	sadd.s32 $0x10, s19  }
0x6c: {  	v7 =	vor.u32 s19, v1  }
0x6d: {  	vm1 =	vlt.s32 v7, v3  }
.Ltmp7:
0x6e: {  	v5 =	vsel vm1, v5, v4;
	(pc) =	sbr.rel @p1 .LBB2_10-.Ltmp7, $4  }
0x6f: {  	[tilespmem:s17+$0x0] =	vst v5;
	v5 =	vsel vm1, v6, v2  }
0x70: {  	s17 =	sadd.s32 $0x10, s17;
	[tilespmem:s18+$0x0] =	vst v5  }
0x71: {  	s18 =	sadd.s32 $0x10, s18;
	v5 =	vld [tilespmem:s17+$0x0]  }
0x72: {  	s20 =	sadd.s32 $0xFFFFFFFF, s20;
	v6 =	vld [tilespmem:s18+$0x0]  }
.LBB2_11:
0x73: {  	s19 =	sadd.s32 @p0 $0x10, s19  }
0x74: {  	s15 =	smov.u32 @p0 s19  }
0x75: {  	v7 =	vor.u32 s15, v1  }
0x76: {  	vm1 =	vlt.s32 v7, v3  }
0x77: {  	v3 =	vsel vm1, v5, v4  }
0x78: {  	v2 =	vsel vm1, v6, v2;
	[tilespmem:s17+$0x0] =	vst v3  }
0x79: {  	[tilespmem:s18+$0x0] =	vst v2  }
.LBB2_12:
0x7a: {  	p0 =	slt.s32 s16, $0x1  }
.Ltmp8:
0x7b: {  	_ = 	snop;
	(pc) =	sbr.rel @p0 .LBB2_16-.Ltmp8, $1  }
0x7c: {  	_ =	sdelay $0x3  }
0x7d: {  	s15 =	simm.s32 $0x6690  }
0x7e: {  	[tilespmem:s14], [sflag:$0x1] =	stream.indirect.gather [hbm4b:s5+s13], $0x40, s15, s13, $0xb8;
	[tilespmem:$0xEB20] =	vst v63  }
0x7f: {  	p0 =	sne.s32 s16, $0x1;
	_ =	swait.ge [sflag:s12], $0x2000  }
.Ltmp9:
0x80: {  	[sflag:s12] =	ssyncset.done $0x0;
	(pc) =	sbr.rel @!p0 .LBB2_15-.Ltmp9, $4  }
0x81: {  	s17 =	simm.s32 $0x200;
	[sflag:s12] =	ssyncadd.s32 $0xFFFFE000  }
0x82: {  	[hbm4b:s1+s13] =	stream.indirect.scatter [tilespmem:s14], [sflag:$0x1], $0x40, s17, s13, $0xb8;
	[tilespmem:$0xEB20] =	vst v63  }
0x83: {  	_ =	swait.ge [sflag:s12], $0x2000  }
0x84: {  	s16 =	sadd.s32 $0xFFFFFFFF, s16;
	[sflag:s12] =	ssyncset.done $0x0  }
.LBB2_14:
0x85: {  	[sflag:s12] =	ssyncadd.s32 $0xFFFFE000;
	s15 =	sadd.s32 $0x80, s15;
	s17 =	sadd.s32 $0x80, s17  }
0x86: {  	[tilespmem:s14], [sflag:$0x1] =	stream.indirect.gather [hbm4b:s5+s13], $0x40, s15, s13, $0xb8;
	[tilespmem:$0xEB20] =	vst v63  }
0x87: {  	p0 =	sne.s32 s16, $0x1;
	s16 =	sadd.s32 $0xFFFFFFFF, s16;
	_ =	swait.ge [sflag:s12], $0x2000  }
.Ltmp10:
0x88: {  	[sflag:s12] =	ssyncset.done $0x0;
	(pc) =	sbr.rel @p0 .LBB2_14-.Ltmp10, $4  }
0x89: {  	[sflag:s12] =	ssyncadd.s32 $0xFFFFE000  }
0x8a: {  	[hbm4b:s1+s13] =	stream.indirect.scatter [tilespmem:s14], [sflag:$0x1], $0x40, s17, s13, $0xb8;
	[tilespmem:$0xEB20] =	vst v63  }
0x8b: {  	_ =	swait.ge [sflag:s12], $0x2000  }
0x8c: {  	[sflag:s12] =	ssyncset.done $0x0  }
.Ltmp11:
0x8d: {  	_ = 	snop;
	(pc) =	sbr.rel .LBB2_15-.Ltmp11, $1  }
0x8e: {  	_ =	sdelay $0x3  }
.LBB2_7:
.Ltmp12:
0x8f: {  	(pc) =	sbr.rel .LBB2_11-.Ltmp12, $2  }
0x90: {  	_ =	sdelay $0x2  }
0x91: {  	s19 =	smov.u32 s15  }
.LBB2_9:
.Ltmp13:
0x92: {  	(pc) =	sbr.rel .LBB2_11-.Ltmp13, $2  }
0x93: {  	_ =	sdelay $0x2  }
0x94: {  	s19 =	smov.u32 s15  }
.LBB2_17:
0x95: {  	_ =	sfence.sel $0x180000  }
0x96: {  	[bflag:$0x0] =	sbarrier.arrive $0xFFFF  }
0x97: {  	p0 =	sne.s32 s2, $0x0;
	_ =	strace $0x9000004D  }
0x98: {  	s0 =	sadd.s32 @!p0 $0x100000, s0;
	[bflag:$0x2] =	sbarrier.arrive $0xFFFF  }
0x99: {  	[sflag:s0] =	ssyncadd.tile.s32 @!p0 $0x1;
	_ =	shalt  }
.Lfunc_end2:
_tile_overlayer_lowered:
.L_overlay_start_2:
0x9a: {  	(tag) =	ssettag $0x2  }
0x9b: {  	s0 =	rddreg [dreg:$0x0];
	s2 =	stileid.u32  }
0x9c: {  	s1 =	rddreg [dreg:$0x1];
	p0 =	sne.s32 s2, $0x0  }
0x9d: {  	s3 =	rddreg [dreg:$0x2];
	[bflag:$0x3] =	sbarrier.arrive $0xFFFF;
	s2 =	simm.s32 @!p0 $0x1C02  }
0x9e: {  	[timem:s3], [sflag:s2] =	dma.local @!p0 [hbm:s0], s1  }
0x9f: {  	s0 =	simm.s32 @!p0 $0x2  }
0xa0: {  	_ =	swait.ge @!p0 [sflag:s0], s1  }
0xa1: {  	s1 =	ssub.s32 @!p0 $0x0, s1;
	[sflag:s0] =	ssyncset.done @!p0 $0x0  }
0xa2: {  	[sflag:s0] =	ssyncadd.s32 @!p0 s1  }
0xa3: {  	[bflag:$0x3] =	sbarrier.arrive $0xFFFF  }
0xa4: {  	_ =	shalt  }

// kernel: sparse-core-data-format-call.1.cloned.1.call-start
scs
called_computation.1_lowered:
.L_overlay_start_0:
0x0: {  	s2 =	sld [smem:$0x3FD9]  }
0x1: {  	s3 =	sld [smem:$0x3FFE];
	_ =	sdelay $0x1  }
0x2: {  	s1 =	srdreg.scid  }
0x3: {  	s0 =	sand.u32 $0x1, s1  }
0x4: {  	s18 =	sshll.u32 s0, $0xA;
	s2 =	sadd.s32 s3, s2  }
0x5: {  	s2 =	sadd.s32 s2, s18  }
0x6: {  	[smem:$0x3FC1] =	sst s2  }
0x7: {  	_ = 	snop  }
0x8: {  	s2 =	sld [smem:$0x3FD0];
	(tm) =	ssettm $0x1  }
0x9: {  	s19 =	sld [smem:$0x3FFB];
	_ =	sdelay $0x3  }
0xa: {  	_ =	strace s19  }
0xb: {  	s3 =	sld [smem:$0x3FFC];
	_ =	sdelay $0x3  }
0xc: {  	_ =	strace s3  }
0xd: {  	s3 =	sld [smem:$0x3FFD];
	_ =	sdelay $0x3  }
0xe: {  	_ =	strace s3  }
0xf: {  	_ =	strace $0x8FFFFFFF  }
0x10: {  	s20 =	sld [smem:$0x3FDB];
	_ =	sdelay $0x1  }
0x11: {  	s4 =	simm.s32 $_scs_section_size  }
0x12: {  	s5 =	simm.s32 $_size__tile_overlayer_lowered;
	s6 =	simm.s32 $_tile_overlayer_lowered  }
0x13: {  	s23 =	simm.s32 $0x1BFF;
	s22 =	sshll.u32 s6, $0x1;
	s3 =	sadd.s32 s4, s20  }
0x14: {  	s7 =	simm.s32 $0x0;
	s21 =	sshll.u32 s5, $0x1;
	s5 =	sadd.s32 s22, s3  }
0x15: {  	[timem:s7], [sflag:s23] =	dma.local [hbm:s5], s21  }
0x16: {  	_ =	swait.ge [sflag:s23], s21  }
0x17: {  	s4 =	ssub.s32 $0x0, s21;
	[sflag:s23] =	ssyncset.done $0x0  }
0x18: {  	[sflag:s23] =	ssyncadd.s32 s4;
	_ =	sdelay $0x1  }
0x19: {  	s24 =	simm.s32 $0x1B8B  }
0x1a: {  	_ =	swait.ge [sflag:s24], $0x1  }
0x1b: {  	[sflag:s24] =	ssyncset.done $0x0  }
0x1c: {  	s26 =	simm.s32 $0x1B8E;
	s25 =	sld [smem:$0x3FFE];
	[sflag:s24] =	ssyncadd.s32 $0xFFFFFFFF  }
0x1d: {  	s27 =	simm.s32 $execute0_lowered;
	[smem:$0x3FD2] =	sst s26  }
0x1e: {  	s5 =	sshll.u32 s27, $0x1;
	_ =	strace $0x80000046;
	[dreg:$0x1] =	wrdreg $0xFFFFFFFF  }
0x1f: {  	s28 =	simm.s32 $_size_execute0_lowered;
	s3 =	sadd.s32 s3, s5;
	[dreg:$0x0] =	wrdreg $0x0  }
0x20: {  	s5 =	sshll.u32 s28, $0x1;
	[dreg:$0x2] =	wrdreg s3  }
0x21: {  	[dreg:$0x3] =	wrdreg s5  }
0x22: {  	[dreg:$0x4] =	wrdreg $0xC0  }
0x23: {  	_ =	task [dreg:s7], $0x5FFFF  }
0x24: {  	[dreg:$0x1] =	wrdreg $0xFFFFFFFF  }
0x25: {  	[dreg:$0x0] =	wrdreg $0x60  }
0x26: {  	[dreg:$0x2] =	wrdreg s2  }
0x27: {  	[dreg:$0x3] =	wrdreg s25  }
0x28: {  	[dreg:$0x4] =	wrdreg $0x9  }
0x29: {  	_ =	task.clear_ibuf [dreg:s7], $0x5FFFF;
	_ =	strace $0x90000046  }
0x2a: {  	s29 =	simm.s32 $0x9;
	_ =	strace $0x80000048  }
0x2b: {  	_ =	swait.ge [sflag:s29], $0x1  }
0x2c: {  	[sflag:s29] =	ssyncadd.s32 $0xFFFFFFFF  }
0x2d: {  	_ =	strace $0x90000048  }
0x2e: {  	_ =	sfence  }
0x2f: {  	s30 =	sld [smem:$0x0];
	_ =	sdelay $0x2  }
0x30: {  	s31 =	sshll.u32 s1, $0xD;
	s1 =	sshrl.u32 s1, $0x2  }
0x31: {  	s3 =	sand.u32 $0x4000, s31;
	s1 =	sadd.s32 s1, s30  }
0x32: {  	s0 =	sor.u32 s3, s0;
	s1 =	sshll.u32 s1, $0x11  }
0x33: {  	s0 =	sor.u32 s1, s0  }
0x34: {  	s0 =	sadd.s32 $0x8F2B, s0  }
0x35: {  	[sflag:s0] =	ssyncadd.remote.s32 $0x1  }
0x36: {  	_ =	sfence.sel $0xFFFF  }
0x37: {  	[dreg:$0x0] =	wrdreg $0xFFFFFFFF;
	(pc) =	sbr.abs _section_cstart, $3  }
0x38: {  	[dreg:$0x1] =	wrdreg $0xFFFFFFFF  }
0x39: {  	_ =	task.clear_ibuf [dreg:s7], $0x2FFFF;
	_ =	strace $0x9FFFFFFF  }
0x3a: {  	(tm) =	ssettm $0x7FFFFFFF  }
0x3b: {  	_ =	shalt  }
tec
execute0_lowered:
.L_overlay_start_1:
0x0: {  	(tag) =	ssettag $0x1  }
0x1: {  	s2 =	rddreg [dreg:$0x0]  }
0x2: {  	s0 =	srdreg.scid;
	s4 =	rddreg [dreg:$0x1]  }
0x3: {  	s1 =	stileid.u32;
	s5 =	simm.s32 $0x1;
	s7 =	simm.s32 $0x2  }
0x4: {  	s14 =	simm.s32 $0x0;
	p0 =	por $0x0, $0x0;
	s0 =	sshll.u32 s0, $0x4  }
0x5: {  	s13 =	simm.s32 $0x0;
	s8 =	simm.s32 $0x0;
	s3 =	sand.u32 $0x10, s0  }
.Ltmp0:
0x6: {  	s9 =	simm.s32 $0x0;
	s3 =	sor.u32 s1, s3;
	(pc) =	sbr.rel .LBB1_1-.Ltmp0, $4  }
0x7: {  	s11 =	simm.s32 $0x0;
	s12 =	simm.s32 $0x0;
	s3 =	sshll.u32 s3, $0x7  }
0x8: {  	s0 =	rddreg [dreg:$0x2];
	_ =	strace $0x80000047;
	s6 =	ssub.s32 $0x1DE80, s3  }
0x9: {  	s4 =	sadd.s32 $0x3000, s4;
	[sflag:s5] =	ssyncpa.u1 $0x0;
	s6 =	sshrl.u32 s6, $0xC  }
0xa: {  	[sflag:s7] =	ssyncpa.u1 $0x0;
	s10 =	smov.u32 s3;
	s7 =	sor.u32 $0x2, s6  }
.LBB1_5:
0xb: {  	p1 =	slt.u32 s12, $0x2  }
0xc: {  	p2 =	sgt.s32 @!p1 s14, $0x1DE08  }
0xd: {  	s15 =	smov.u32 s14;
	s16 =	sshra.s32 @!p1 s14, $0x1F;
	p2 =	por !p2, p1  }
0xe: {  	s14 =	sand.u32 @!p1 s16, s14;
	s15 =	simm.s32 @p2 $0x1DE08  }
0xf: {  	s14 =	ssub.s32 @!p1 s15, s14;
	s15 =	ssub.s32 @!p1 $0x0, s13  }
0x10: {  	s17 =	smov.u32 s11;
	s16 =	sadd.s32 @!p1 $0xFFFE21F8, s14;
	s13 =	smin.u32 @!p1 s13, s15  }
0x11: {  	s14 =	ssub.s32 @!p1 $0x1DE88, s14;
	p2 =	sgt.s32 @!p1 s16, $0x7F;
	p3 =	sgt.s32 @!p1 s13, $0x7F  }
0x12: {  	s13 =	ssub.s32 @!p1 $0x80, s13;
	p2 =	por !p2, p1;
	p3 =	por !p3, p1  }
0x13: {  	s15 =	sadd.s32 $0x1000, s10;
	s14 =	simm.s32 @!p2 $0x0;
	s13 =	simm.s32 @!p3 $0x0  }
0x14: {  	p2 =	sgt.s32 s15, $0x1DE83;
	s13 =	smul.u32 @!p1 s13, s14;
	s14 =	sadd.s32 $0x80, s11  }
0x15: {  	s17 =	smov.u32 @p2 s14  }
0x16: {  	s15 =	smov.u32 @p2 s3;
	p2 =	sgt.s32 s17, $0x7F  }
0x17: {  	s17 =	simm.s32 @p2 $0x0;
	p2 =	sne.s32 s12, s7  }
.Ltmp1:
0x18: {  	p0 =	por !p0, !p0;
	s16 =	simm.s32 @!p1 $0x2;
	(pc) =	sbr.rel @!p2 .LBB1_6-.Ltmp1, $4  }
0x19: {  	s14 =	smov.u32 s8;
	s8 =	smov.u32 s10;
	s13 =	sand.u32 @!p1 $0x3FFFFFFF, s13  }
0x1a: {  	s10 =	smov.u32 s15;
	_ =	swait.ge @!p1 [sflag:s16], s13;
	s18 =	ssub.s32 @!p1 $0x0, s13  }
0x1b: {  	s13 =	smov.u32 s9;
	s12 =	sadd.s32 $0x1, s12;
	[sflag:s16] =	ssyncset.done @!p1 $0x0  }
0x1c: {  	s9 =	smov.u32 s11;
	s11 =	smov.u32 s17;
	[sflag:s16] =	ssyncadd.s32 @!p1 s18  }
.LBB1_1:
0x1d: {  	p1 =	sgt.u32 s12, s6  }
0x1e: {  	s15 =	sshrl.u32 @!p1 s11, $0x3  }
0x1f: {  	s16 =	sshll.u32 @!p1 s10, $0x3;
	s15 =	smul.u32 @!p1 $0xEF800, s15  }
0x20: {  	s17 =	sshll.u32 @!p1 s11, $0x7;
	s16 =	sand.u32 @!p1 $0xFFFFFC00, s16  }
0x21: {  	s15 =	sadd.s32 @!p1 s15, s16;
	s16 =	sand.u32 @!p1 $0x380, s17  }
0x22: {  	s15 =	sor.u32 @!p1 s16, s15  }
0x23: {  	s16 =	sshrl.u32 @!p1 s15, $0x8  }
0x24: {  	s16 =	smulhi.u32 @!p1 $0x88D181, s16;
	_ =	sdelay $0x1  }
0x25: {  	s17 =	sand.u32 @!p1 $0x7F, s10;
	s18 =	smul.u32 @!p1 $0x1DF00, s16  }
0x26: {  	s15 =	sor.u32 @!p1 s17, s15;
	s17 =	sxor.u32 @!p1 $0xFFFFFFFF, s12  }
0x27: {  	s17 =	sshll.u32 @!p1 s17, $0xE;
	s16 =	sand.u32 @!p1 $0x7F, s16;
	s15 =	ssub.s32 @!p1 s15, s18  }
0x28: {  	s16 =	smul.u32 @!p1 $0x3BE0, s16;
	s18 =	sshrl.u32 @!p1 s15, $0x3;
	s15 =	sand.u32 @!p1 $0x7, s15  }
0x29: {  	s17 =	sand.u32 @!p1 $0x4000, s17;
	s18 =	sadd.s32 @!p1 s2, s18;
	s15 =	sshll.u32 @!p1 s15, $0x12  }
0x2a: {  	s16 =	sadd.s32 @!p1 s16, s18;
	s15 =	sor.u32 @!p1 $0x400, s15;
	s18 =	simm.s32 @!p1 $0xEF800  }
0x2b: {  	[tilespmem:s17], [sflag:$0x1] =	stream.strided.gather @!p1 [hbm4b:s16+s15], $0x4000, s18, s15, $0x38;
	[tilespmem:$0x10100] =	vst v63  }
0x2c: {  	p1 =	seq.s32 s12, $0x0  }
0x2d: {  	p2 =	sge.u32 @!p1 s12, s7  }
0x2e: {  	p1 =	por p1, p2  }
.Ltmp2:
0x2f: {  	_ = 	snop;
	(pc) =	sbr.rel @p1 .LBB1_5-.Ltmp2, $1  }
0x30: {  	_ =	sdelay $0x3  }
0x31: {  	s15 =	simm.s32 $0x1  }
0x32: {  	_ =	swait.ge [sflag:s5], $0x4000;
	s15 =	simm.s32 @!p0 $0x0  }
0x33: {  	[sflag:s5] =	ssyncset.done $0x0;
	s16 =	sshll.u32 s15, $0xE  }
0x34: {  	[sflag:s5] =	ssyncadd.s32 $0xFFFFC000;
	s16 =	sor.u32 $0x40, s16  }
0x35: {  	s15 =	smul.u32 $0x10200, s15;
	v0 =	vld [tilespmem:s16+$0x30]  }
0x36: {  	v1 =	vld [tilespmem:s16+$0xFFFFFFD0]  }
0x37: {  	s15 =	sshrl.u32 s15, $0x2;
	v5 =	vld [tilespmem:s16+$0xFFFFFFE0]  }
0x38: {  	v6 =	vld [tilespmem:s16+$0xFFFFFFF0];
	s18 =	sor.u32 $0x8000, s15  }
0x39: {  	s31 =	sand.u32 $0x1, s12;
	v4 =	vld [tilespmem:s16+$0x0];
	s17 =	sadd.s32 $0x0, s18  }
0x3a: {  	v3 =	vld [tilespmem:s16+$0x10];
	s15 =	smul.u32 $0x10200, s31;
	[tilespmem:s17+$0x3870 ss:$0x81] =	vst.msk $0xffff, v0  }
0x3b: {  	v2 =	vld [tilespmem:s16+$0x20];
	[tilespmem:s17+$0x810 ss:$0x81] =	vst.msk $0xffff, v1  }
0x3c: {  	s15 =	sshrl.u32 s15, $0x2;
	v0 =	vld [tilespmem:s16+$0xFFFFFFC0];
	[tilespmem:s17+$0x1020 ss:$0x81] =	vst.msk $0xffff, v5;
	s16 =	sadd.s32 $0x80, s16  }
0x3d: {  	s19 =	simm.s32 $0x4;
	s20 =	simm.s32 $0x8;
	s15 =	sor.u32 $0x8000, s15;
	[tilespmem:s17+$0x1830 ss:$0x81] =	vst.msk $0xffff, v6;
	v1 =	vld [tilespmem:s16+$0x30]  }
.LBB1_3:
0x3e: {  	p1 =	sne.s32 s20, $0x1FC;
	v5 =	vld [tilespmem:s16+$0xFFFFFFD0];
	[tilespmem:s17+$0x2040 ss:$0x81] =	vst.msk $0xffff, v4  }
0x3f: {  	v6 =	vld [tilespmem:s16+$0xFFFFFFE0];
	[tilespmem:s17+$0x2850 ss:$0x81] =	vst.msk $0xffff, v3  }
0x40: {  	s21 =	sshra.s32 s19, $0x2;
	s19 =	smov.u32 s20;
	v7 =	vld [tilespmem:s16+$0xFFFFFFF0];
	[tilespmem:s17+$0x3060 ss:$0x81] =	vst.msk $0xffff, v2  }
.Ltmp3:
0x41: {  	v4 =	vld [tilespmem:s16+$0x0];
	[tilespmem:s17+$0x0 ss:$0x81] =	vst.msk $0xffff, v0;
	s17 =	sadd.s32 s21, s18;
	(pc) =	sbr.rel @p1 .LBB1_3-.Ltmp3, $4  }
0x42: {  	v3 =	vld [tilespmem:s16+$0x10];
	[tilespmem:s17+$0x3870 ss:$0x81] =	vst.msk $0xffff, v1  }
0x43: {  	[tilespmem:s17+$0x810 ss:$0x81] =	vst.msk $0xffff, v5;
	v2 =	vld [tilespmem:s16+$0x20]  }
0x44: {  	v0 =	vld [tilespmem:s16+$0xFFFFFFC0];
	[tilespmem:s17+$0x1020 ss:$0x81] =	vst.msk $0xffff, v6;
	s16 =	sadd.s32 $0x80, s16  }
0x45: {  	s20 =	sadd.s32 $0x4, s20;
	v1 =	vld [tilespmem:s16+$0x30];
	[tilespmem:s17+$0x1830 ss:$0x81] =	vst.msk $0xffff, v7  }
0x46: {  	s20 =	sshll.u32 s8, $0x7;
	s21 =	sshll.u32 s9, $0x3;
	s19 =	sshra.s32 s19, $0x2  }
0x47: {  	v5 =	vld [tilespmem:s16+$0xFFFFFFD0];
	[tilespmem:s17+$0x2040 ss:$0x81] =	vst.msk $0xffff, v4;
	p1 =	sgt.s32 s8, $0x1DE08;
	s22 =	sand.u32 $0xFFFFFC00, s20;
	s21 =	sand.u32 $0xFFFFFC00, s21  }
0x48: {  	v58 =	vld [tilespmem:s16+$0xFFFFFFE0];
	s24 =	sshra.s32 s8, $0x1F;
	s20 =	sand.u32 $0x380, s20;
	[tilespmem:s17+$0x2850 ss:$0x81] =	vst.msk $0xffff, v3;
	s21 =	sadd.s32 s21, s22  }
0x49: {  	v59 =	vld [tilespmem:s16+$0xFFFFFFF0];
	s26 =	ssub.s32 $0x0, s9;
	s18 =	sadd.s32 s19, s18;
	[tilespmem:s17+$0x3060 ss:$0x81] =	vst.msk $0xffff, v2;
	s23 =	sor.u32 s20, s21  }
0x4a: {  	v60 =	vld [tilespmem:s16+$0x0];
	s28 =	smin.u32 s9, s26;
	s20 =	smov.u32 s8;
	[tilespmem:s17+$0x0 ss:$0x81] =	vst.msk $0xffff, v0;
	s19 =	sshrl.u32 s23, $0x7  }
0x4b: {  	v61 =	vld [tilespmem:s16+$0x10];
	s21 =	sand.u32 s24, s8;
	s20 =	simm.s32 @!p1 $0x1DE08;
	[tilespmem:s18+$0x3870 ss:$0x81] =	vst.msk $0xffff, v1;
	s25 =	smulhi.u32 $0x223CF41, s19  }
0x4c: {  	v62 =	vld [tilespmem:s16+$0x20];
	s29 =	sshrl.u32 s9, $0x3;
	p2 =	sgt.s32 s28, $0x7F;
	s20 =	ssub.s32 s20, s21;
	[tilespmem:s18+$0x810 ss:$0x81] =	vst.msk $0xffff, v5  }
0x4d: {  	v63 =	vld [tilespmem:s16+$0xFFFFFFC0];
	[tilespmem:s18+$0x1020 ss:$0x81] =	vst.msk $0xffff, v58;
	s21 =	sadd.s32 $0xFFFE21F8, s20;
	s20 =	ssub.s32 $0x1DE88, s20;
	s17 =	sshrl.u32 s25, $0xA  }
0x4e: {  	[tilespmem:s18+$0x1830 ss:$0x81] =	vst.msk $0xffff, v59;
	p1 =	sgt.s32 s21, $0x7F;
	s27 =	smul.u32 $0x1DE88, s17;
	s17 =	ssub.s32 $0x80, s28  }
.Ltmp4:
0x4f: {  	[tilespmem:s18+$0x2040 ss:$0x81] =	vst.msk $0xffff, v60;
	s20 =	simm.s32 @p1 $0x0;
	s17 =	simm.s32 @p2 $0x0;
	(pc) =	sbr.rel .LBB1_5-.Ltmp4, $4  }
0x50: {  	s30 =	sand.u32 $0xF, s29;
	[tilespmem:s18+$0x2850 ss:$0x81] =	vst.msk $0xffff, v61;
	s16 =	ssub.s32 s19, s27;
	s17 =	smul.u32 s17, s20  }
0x51: {  	[tilespmem:s18+$0x3060 ss:$0x81] =	vst.msk $0xffff, v62;
	s19 =	sadd.s32 s4, s30;
	s16 =	sshll.u32 s16, $0x4  }
0x52: {  	s31 =	sand.u32 $0x7, s9;
	[tilespmem:s18+$0x0 ss:$0x81] =	vst.msk $0xffff, v63;
	s17 =	sand.u32 $0x3FFFFFFF, s17;
	s16 =	sadd.s32 s16, s19  }
0x53: {  	[hbm4b:s16+s31] =	stream.linear.scatter [tilespmem:s15], [sflag:$0x2], s17, $0x20;
	[tilespmem:$0x10100] =	vst v63  }
.LBB1_6:
0x54: {  	_ =	sfence.sel $0x180000  }
0x55: {  	s2 =	simm.s32 $0x1;
	[bflag:$0x0] =	sbarrier.arrive $0xFFFF  }
0x56: {  	s31 =	simm.s32 $0x2;
	[sflag:s2] =	ssyncpa.u1 $0x1  }
0x57: {  	[sflag:s31] =	ssyncpa.u1 $0x1  }
0x58: {  	p0 =	sne.s32 s1, $0x0;
	_ =	strace $0x90000047  }
0x59: {  	s0 =	sadd.s32 @!p0 $0x100000, s0;
	[bflag:$0x2] =	sbarrier.arrive $0xFFFF  }
0x5a: {  	[sflag:s0] =	ssyncadd.tile.s32 @!p0 $0x1;
	_ =	shalt  }
.Lfunc_end1:
_tile_overlayer_lowered:
.L_overlay_start_2:
0x5b: {  	(tag) =	ssettag $0x2  }
0x5c: {  	s0 =	rddreg [dreg:$0x0];
	s2 =	stileid.u32  }
0x5d: {  	s1 =	rddreg [dreg:$0x1];
	p0 =	sne.s32 s2, $0x0  }
0x5e: {  	s3 =	rddreg [dreg:$0x2];
	[bflag:$0x3] =	sbarrier.arrive $0xFFFF;
	s2 =	simm.s32 @!p0 $0x1C01  }
0x5f: {  	[timem:s3], [sflag:s2] =	dma.local @!p0 [hbm:s0], s1  }
0x60: {  	s0 =	simm.s32 @!p0 $0x1  }
0x61: {  	_ =	swait.ge @!p0 [sflag:s0], s1  }
0x62: {  	s1 =	ssub.s32 @!p0 $0x0, s1;
	[sflag:s0] =	ssyncset.done @!p0 $0x0  }
0x63: {  	[sflag:s0] =	ssyncadd.s32 @!p0 s1  }
0x64: {  	[bflag:$0x3] =	sbarrier.arrive $0xFFFF  }
0x65: {  	_ =	shalt  }

// kernel: sparse-core-data-format-call.cloned.1.call-start
scs
called_computation_lowered:
.L_overlay_start_0:
0x0: {  	s2 =	sld [smem:$0x3FD9]  }
0x1: {  	s3 =	sld [smem:$0x3FFE];
	_ =	sdelay $0x1  }
0x2: {  	s1 =	srdreg.scid  }
0x3: {  	s0 =	sand.u32 $0x1, s1  }
0x4: {  	s18 =	sshll.u32 s0, $0xA;
	s2 =	sadd.s32 s3, s2  }
0x5: {  	s2 =	sadd.s32 s2, s18  }
0x6: {  	[smem:$0x3FC1] =	sst s2  }
0x7: {  	_ = 	snop  }
0x8: {  	s2 =	sld [smem:$0x3FD0];
	(tm) =	ssettm $0x1  }
0x9: {  	s19 =	sld [smem:$0x3FFB];
	_ =	sdelay $0x3  }
0xa: {  	_ =	strace s19  }
0xb: {  	s3 =	sld [smem:$0x3FFC];
	_ =	sdelay $0x3  }
0xc: {  	_ =	strace s3  }
0xd: {  	s3 =	sld [smem:$0x3FFD];
	_ =	sdelay $0x3  }
0xe: {  	_ =	strace s3  }
0xf: {  	_ =	strace $0x8FFFFFFF  }
0x10: {  	s20 =	sld [smem:$0x3FDB];
	_ =	sdelay $0x1  }
0x11: {  	s4 =	simm.s32 $_scs_section_size  }
0x12: {  	s5 =	simm.s32 $_size__tile_overlayer_lowered;
	s6 =	simm.s32 $_tile_overlayer_lowered  }
0x13: {  	s23 =	simm.s32 $0x1BFF;
	s22 =	sshll.u32 s6, $0x1;
	s3 =	sadd.s32 s4, s20  }
0x14: {  	s7 =	simm.s32 $0x0;
	s21 =	sshll.u32 s5, $0x1;
	s5 =	sadd.s32 s22, s3  }
0x15: {  	[timem:s7], [sflag:s23] =	dma.local [hbm:s5], s21  }
0x16: {  	_ =	swait.ge [sflag:s23], s21  }
0x17: {  	s4 =	ssub.s32 $0x0, s21;
	[sflag:s23] =	ssyncset.done $0x0  }
0x18: {  	[sflag:s23] =	ssyncadd.s32 s4;
	_ =	sdelay $0x1  }
0x19: {  	s24 =	simm.s32 $0x1B8B  }
0x1a: {  	_ =	swait.ge [sflag:s24], $0x1  }
0x1b: {  	[sflag:s24] =	ssyncset.done $0x0  }
0x1c: {  	s26 =	simm.s32 $0x1B8E;
	s25 =	sld [smem:$0x3FFE];
	[sflag:s24] =	ssyncadd.s32 $0xFFFFFFFF  }
0x1d: {  	s27 =	simm.s32 $execute0_lowered;
	[smem:$0x3FD2] =	sst s26  }
0x1e: {  	s5 =	sshll.u32 s27, $0x1;
	_ =	strace $0x8000004F;
	[dreg:$0x1] =	wrdreg $0xFFFFFFFF  }
0x1f: {  	s28 =	simm.s32 $_size_execute0_lowered;
	s3 =	sadd.s32 s3, s5;
	[dreg:$0x0] =	wrdreg $0x0  }
0x20: {  	s5 =	sshll.u32 s28, $0x1;
	[dreg:$0x2] =	wrdreg s3  }
0x21: {  	[dreg:$0x3] =	wrdreg s5  }
0x22: {  	[dreg:$0x4] =	wrdreg $0xC0  }
0x23: {  	_ =	task [dreg:s7], $0x5FFFF  }
0x24: {  	[dreg:$0x1] =	wrdreg $0xFFFFFFFF  }
0x25: {  	[dreg:$0x0] =	wrdreg $0x60  }
0x26: {  	[dreg:$0x2] =	wrdreg s25  }
0x27: {  	[dreg:$0x3] =	wrdreg s2  }
0x28: {  	[dreg:$0x4] =	wrdreg $0x9  }
0x29: {  	_ =	task.clear_ibuf [dreg:s7], $0x5FFFF;
	_ =	strace $0x9000004F  }
0x2a: {  	s29 =	simm.s32 $0x9;
	_ =	strace $0x80000051  }
0x2b: {  	_ =	swait.ge [sflag:s29], $0x1  }
0x2c: {  	[sflag:s29] =	ssyncadd.s32 $0xFFFFFFFF  }
0x2d: {  	_ =	strace $0x90000051  }
0x2e: {  	_ =	sfence  }
0x2f: {  	s30 =	sld [smem:$0x0];
	_ =	sdelay $0x2  }
0x30: {  	s31 =	sshll.u32 s1, $0xD;
	s1 =	sshrl.u32 s1, $0x2  }
0x31: {  	s3 =	sand.u32 $0x4000, s31;
	s1 =	sadd.s32 s1, s30  }
0x32: {  	s0 =	sor.u32 s3, s0;
	s1 =	sshll.u32 s1, $0x11  }
0x33: {  	s0 =	sor.u32 s1, s0  }
0x34: {  	s0 =	sadd.s32 $0x8F2B, s0  }
0x35: {  	[sflag:s0] =	ssyncadd.remote.s32 $0x1  }
0x36: {  	_ =	sfence.sel $0xFFFF  }
0x37: {  	[dreg:$0x0] =	wrdreg $0xFFFFFFFF;
	(pc) =	sbr.abs _section_cstart, $3  }
0x38: {  	[dreg:$0x1] =	wrdreg $0xFFFFFFFF  }
0x39: {  	_ =	task.clear_ibuf [dreg:s7], $0x2FFFF;
	_ =	strace $0x9FFFFFFF  }
0x3a: {  	(tm) =	ssettm $0x7FFFFFFF  }
0x3b: {  	_ =	shalt  }
tec
execute0_lowered:
.L_overlay_start_1:
0x0: {  	(tag) =	ssettag $0x1  }
0x1: {  	s0 =	srdreg.scid  }
0x2: {  	s1 =	sshll.u32 s0, $0x4  }
0x3: {  	s5 =	rddreg [dreg:$0x0];
	s0 =	stileid.u32;
	s1 =	sand.u32 $0x10, s1  }
0x4: {  	s3 =	rddreg [dreg:$0x1];
	s31 =	simm.s32 $0x2;
	s4 =	sor.u32 s0, s1  }
0x5: {  	s13 =	simm.s32 $0x0;
	s9 =	simm.s32 $0x400;
	s2 =	sshll.u32 s4, $0x7  }
0x6: {  	s10 =	simm.s32 $0x8000;
	s14 =	simm.s32 $0x0;
	s6 =	ssub.s32 $0x1000, s2  }
0x7: {  	s1 =	rddreg [dreg:$0x2];
	_ =	strace $0x80000050;
	s7 =	sand.u32 $0xF80, s6  }
0x8: {  	s4 =	sshll.u32 s4, $0xB;
	p0 =	sne.s32 s7, $0x0;
	s7 =	simm.s32 $0x1  }
.Ltmp0:
0x9: {  	s6 =	sshrl.u32 s6, $0xC;
	s7 =	simm.s32 @!p0 $0x0;
	(pc) =	sbr.rel .LBB1_1-.Ltmp0, $4  }
0xa: {  	s8 =	sadd.s32 s4, s5;
	s4 =	simm.s32 $0x1;
	s30 =	sadd.s32 s7, s6  }
0xb: {  	s11 =	simm.s32 $0x0;
	[sflag:s4] =	ssyncpa.u1 $0x0;
	s5 =	smul.u32 $0x64, s30  }
0xc: {  	s12 =	simm.s32 $0x0;
	[sflag:s31] =	ssyncpa.u1 $0x0;
	p0 =	por $0x0, $0x0  }
0xd: {  	s6 =	sadd.s32 $0x3000, s8;
	s7 =	sadd.s32 $0x13000, s8;
	s8 =	sor.u32 $0x1, s5  }
.LBB1_7:
0xe: {  	s15 =	sadd.s32 $0x2, s11  }
0xf: {  	p2 =	sgt.s32 s15, $0xC7  }
0x10: {  	s15 =	simm.s32 @p2 $0x0;
	p2 =	sne.s32 s12, s8  }
.Ltmp1:
0x11: {  	p1 =	slt.u32 s12, $0x2;
	(pc) =	sbr.rel @!p2 .LBB1_8-.Ltmp1, $4  }
0x12: {  	s13 =	simm.s32 @!p1 $0x2  }
0x13: {  	s16 =	sadd.s32 $0x1, s12;
	s14 =	smov.u32 s11;
	_ =	swait.ge @!p1 [sflag:s13], $0x4000  }
0x14: {  	p0 =	por !p0, !p0;
	s12 =	smov.u32 s16;
	[sflag:s13] =	ssyncset.done @!p1 $0x0  }
0x15: {  	s11 =	smov.u32 s15;
	[sflag:s13] =	ssyncadd.s32 @!p1 $0xFFFFC000;
	s13 =	smov.u32 s2  }
.LBB1_1:
0x16: {  	p1 =	sge.u32 s12, s5  }
0x17: {  	s15 =	sxor.u32 @!p1 $0xFFFFFFFF, s12  }
0x18: {  	s16 =	sshll.u32 @!p1 s11, $0x10;
	s18 =	simm.s32 @!p1 $0x40;
	s15 =	sshll.u32 @!p1 s15, $0xE  }
0x19: {  	s19 =	simm.s32 @!p1 $0x80;
	s17 =	sadd.s32 @!p1 s16, s6;
	s15 =	sand.u32 @!p1 $0x4000, s15  }
0x1a: {  	[tilespmem:s15], [sflag:$0x1] =	stream.strided.gather @!p1 [hbm4b:s17+s18], $0x2000, s19, s18, $0x38;
	[tilespmem:$0x10100] =	vst v63  }
0x1b: {  	s31 =	sadd.s32 $0xFFFFFFFF, s12;
	s16 =	sadd.s32 @!p1 s16, s7;
	s15 =	sor.u32 @!p1 $0x2000, s15  }
0x1c: {  	[tilespmem:s15], [sflag:$0x1] =	stream.strided.gather @!p1 [hbm4b:s16+s18], $0x2000, s19, s18, $0x38;
	[tilespmem:$0x10100] =	vst v63  }
0x1d: {  	p1 =	sge.u32 s31, s5  }
.Ltmp2:
0x1e: {  	_ = 	snop;
	(pc) =	sbr.rel @p1 .LBB1_7-.Ltmp2, $1  }
0x1f: {  	_ =	sdelay $0x3  }
0x20: {  	s15 =	simm.s32 $0x1;
	s17 =	sand.u32 $0x1, s12  }
0x21: {  	_ =	swait.ge [sflag:s4], $0x4000;
	s15 =	simm.s32 @!p0 $0x0;
	s17 =	smul.u32 $0x10200, s17  }
0x22: {  	p2 =	por $0x1, $0x1;
	[sflag:s4] =	ssyncset.done $0x0;
	s16 =	smul.u32 $0x10200, s15  }
0x23: {  	s18 =	sshll.u32 s15, $0x10;
	[sflag:s4] =	ssyncadd.s32 $0xFFFFC000;
	s30 =	sshrl.u32 s17, $0x2  }
0x24: {  	s31 =	sshrl.u32 s18, $0x2;
	s18 =	simm.s32 $0x0;
	s16 =	sshrl.u32 s16, $0x2  }
0x25: {  	s15 =	sor.u32 $0x8000, s30;
	s17 =	sadd.s32 $0x20, s31;
	s16 =	sor.u32 $0x8000, s16  }
.LBB1_3:
0x26: {  	s19 =	sshll.u32 s18, $0xD  }
0x27: {  	s19 =	sand.u32 $0x3FFFE000, s19  }
0x28: {  	s21 =	sadd.s32 s19, s17  }
0x29: {  	s31 =	smul.u32 $0x8100, s18;
	v3 =	vld [tilespmem:s21+$0x10]  }
0x2a: {  	v1 =	vld [tilespmem:s21+$0xFFFFFFF0]  }
0x2b: {  	s18 =	sshra.s32 s31, $0x2;
	v0 =	vld [tilespmem:s21+$0x0]  }
0x2c: {  	s18 =	sadd.s32 s18, s16;
	v2 =	vld [tilespmem:s21+$0xFFFFFFE0]  }
0x2d: {  	s19 =	sadd.s32 $0x0, s18  }
0x2e: {  	p1 =	por p2, p2;
	s20 =	simm.s32 $0x4;
	s21 =	sadd.s32 $0x40, s21;
	[tilespmem:s19+$0x1830 ss:$0x81] =	vst.msk $0xffff, v3  }
.LBB1_4:
0x2f: {  	v3 =	vld [tilespmem:s21+$0x10];
	p2 =	sne.s32 s20, $0x1FC;
	[tilespmem:s19+$0x810 ss:$0x81] =	vst.msk $0xffff, v1;
	s22 =	smov.u32 s20;
	s20 =	sadd.s32 $0x4, s20  }
.Ltmp3:
0x30: {  	v1 =	vld [tilespmem:s21+$0xFFFFFFF0];
	[tilespmem:s19+$0x1020 ss:$0x81] =	vst.msk $0xffff, v0;
	(pc) =	sbr.rel @p2 .LBB1_4-.Ltmp3, $4  }
0x31: {  	v0 =	vld [tilespmem:s21+$0x0];
	[tilespmem:s19+$0x0 ss:$0x81] =	vst.msk $0xffff, v2  }
0x32: {  	s19 =	sshra.s32 s22, $0x2;
	v2 =	vld [tilespmem:s21+$0xFFFFFFE0]  }
0x33: {  	s19 =	sadd.s32 s19, s18  }
0x34: {  	s21 =	sadd.s32 $0x40, s21;
	[tilespmem:s19+$0x1830 ss:$0x81] =	vst.msk $0xffff, v3  }
.Ltmp4:
0x35: {  	(pc) =	sbr.rel @p1 .LBB1_3-.Ltmp4, $4  }
0x36: {  	_ = 	snop  }
0x37: {  	[tilespmem:s19+$0x810 ss:$0x81] =	vst.msk $0xffff, v1  }
0x38: {  	[tilespmem:s19+$0x1020 ss:$0x81] =	vst.msk $0xffff, v0  }
0x39: {  	s18 =	simm.s32 $0x1;
	p2 =	por $0x0, $0x0;
	[tilespmem:s19+$0x0 ss:$0x81] =	vst.msk $0xffff, v2  }
.Ltmp5:
0x3a: {  	(pc) =	sbr.rel .LBB1_7-.Ltmp5, $4  }
0x3b: {  	s14 =	sshll.u32 s14, $0xF  }
0x3c: {  	s14 =	sadd.s32 s3, s14  }
0x3d: {  	s13 =	sadd.s32 s13, s14  }
0x3e: {  	[hbm4b:s13+s9] =	stream.strided.scatter [tilespmem:s15], [sflag:$0x2], $0x4000, s10, s9, $0x20;
	[tilespmem:$0x10100] =	vst v63  }
.LBB1_8:
0x3f: {  	_ =	sfence.sel $0x180000  }
0x40: {  	s2 =	simm.s32 $0x1;
	[bflag:$0x0] =	sbarrier.arrive $0xFFFF  }
0x41: {  	s31 =	simm.s32 $0x2;
	[sflag:s2] =	ssyncpa.u1 $0x1  }
0x42: {  	[sflag:s31] =	ssyncpa.u1 $0x1  }
0x43: {  	p0 =	sne.s32 s0, $0x0;
	_ =	strace $0x90000050  }
0x44: {  	s0 =	sadd.s32 @!p0 $0x100000, s1;
	[bflag:$0x2] =	sbarrier.arrive $0xFFFF  }
0x45: {  	[sflag:s0] =	ssyncadd.tile.s32 @!p0 $0x1;
	_ =	shalt  }
.Lfunc_end1:
_tile_overlayer_lowered:
.L_overlay_start_2:
0x46: {  	(tag) =	ssettag $0x2  }
0x47: {  	s0 =	rddreg [dreg:$0x0];
	s2 =	stileid.u32  }
0x48: {  	s1 =	rddreg [dreg:$0x1];
	p0 =	sne.s32 s2, $0x0  }
0x49: {  	s3 =	rddreg [dreg:$0x2];
	[bflag:$0x3] =	sbarrier.arrive $0xFFFF;
	s2 =	simm.s32 @!p0 $0x1C01  }
0x4a: {  	[timem:s3], [sflag:s2] =	dma.local @!p0 [hbm:s0], s1  }
0x4b: {  	s0 =	simm.s32 @!p0 $0x1  }
0x4c: {  	_ =	swait.ge @!p0 [sflag:s0], s1  }
0x4d: {  	s1 =	ssub.s32 @!p0 $0x0, s1;
	[sflag:s0] =	ssyncset.done @!p0 $0x0  }
0x4e: {  	[sflag:s0] =	ssyncadd.s32 @!p0 s1  }
0x4f: {  	[bflag:$0x3] =	sbarrier.arrive $0xFFFF  }
0x50: {  	_ =	shalt  }

</sc_bundles>
